<compile_context>
chip_gen: v7x
topology: tpu7x:2x2x1
jax: 0.10.2.dev20260603
libtpu: 0.0.44.dev20260713+nightly
codegen_flags: <defaults>
</compile_context>

<pallas_src>
import functools

import jax
import jax.numpy as jnp
from jax import lax
from jax.experimental import pallas as pl
from jax.experimental.pallas import tpu as pltpu
from jax.experimental.pallas import tpu_sc as plsc

BATCH = 16384
HIST = 200
VOCAB = 500
DIM = 12

NCORES = 2
NSUB = 16
NWORK = NCORES * NSUB
LANES = 16

VPAD = 512
NPAIR = DIM // 2
ROWW = NPAIR * LANES

BAGS_PER_W = BATCH // NWORK
CHUNK = 128
NCHUNK = BAGS_PER_W // CHUNK
NBLK_C = CHUNK // LANES
UNROLL = 2


@functools.partial(
    pl.kernel,
    out_type=jax.ShapeDtypeStruct((DIM, BATCH), jnp.float32),
    mesh=plsc.VectorSubcoreMesh(core_axis_name="c", subcore_axis_name="s"),
    compiler_params=pltpu.CompilerParams(needs_layout_passes=False),
    scratch_types=[
        pltpu.VMEM((VPAD * ROWW,), jnp.int32),
        pltpu.VMEM((HIST, CHUNK), jnp.int32),
        pltpu.VMEM((HIST, CHUNK), jnp.int32),
        pltpu.VMEM((DIM, BAGS_PER_W), jnp.float32),
        pltpu.SemaphoreType.DMA,
        pltpu.SemaphoreType.DMA,
        pltpu.SemaphoreType.DMA,
        pltpu.SemaphoreType.DMA,
    ],
)
def _embbag_kernel(xt_hbm, w_hbm, out_hbm, w_v, x_a, x_b, o_v, *sems):
    wid = lax.axis_index("s") * NCORES + lax.axis_index("c")
    wbase = wid * BAGS_PER_W
    bufs = (x_a, x_b)
    cps = [
        pltpu.make_async_copy(
            xt_hbm.at[:, pl.ds(wbase + c * CHUNK, CHUNK)], bufs[c % 2], sems[c]
        )
        for c in range(NCHUNK)
    ]
    cps[0].start()
    cps[1].start()
    pltpu.sync_copy(w_hbm, w_v)

    iota = lax.broadcasted_iota(jnp.int32, (LANES,), 0)
    inv_l = jnp.float32(1.0 / HIST)
    zero = jnp.zeros((LANES,), jnp.float32)
    wk_views = [w_v.at[pl.ds(k * LANES, VPAD * ROWW - NPAIR * LANES)]
                for k in range(NPAIR)]

    def make_block_body(x_v, o_off):
        def block_body(blk, carry):
            b0 = blk * LANES

            def l_body(j, accs):
                l0 = j * UNROLL
                new = list(accs)
                for u in range(UNROLL):
                    xv = x_v[l0 + u, pl.ds(b0, LANES)]
                    pos = xv * ROWW + iota
                    for k in range(NPAIR):
                        wk = plsc.load_gather(wk_views[k], [pos])
                        new[2 * k] = new[2 * k] + plsc.bitcast(
                            lax.shift_left(wk, 16), jnp.float32
                        )
                        new[2 * k + 1] = new[2 * k + 1] + plsc.bitcast(
                            wk, jnp.float32
                        )
                return tuple(new)

            accs = lax.fori_loop(0, HIST // UNROLL, l_body, (zero,) * DIM)
            for d in range(DIM):
                o_v[d, pl.ds(o_off + b0, LANES)] = accs[d] * inv_l
            return carry

        return block_body

    for c in range(NCHUNK):
        cps[c].wait()
        lax.fori_loop(0, NBLK_C, make_block_body(bufs[c % 2], c * CHUNK), 0)
        if c + 2 < NCHUNK:
            cps[c + 2].start()
    pltpu.sync_copy(o_v, out_hbm.at[:, pl.ds(wbase, BAGS_PER_W)])


def kernel(x_user, weight):
    wb = jax.lax.bitcast_convert_type(
        weight.astype(jnp.bfloat16), jnp.uint16
    ).astype(jnp.uint32)
    packed = (wb[:, 0::2] | (wb[:, 1::2] << 16)).astype(jnp.int32)
    wrep = jnp.zeros((VPAD, NPAIR, LANES), jnp.int32).at[:VOCAB].set(
        jnp.broadcast_to(packed[:, :, None].astype(jnp.int32),
                         (VOCAB, NPAIR, LANES))
    )
    out_t = _embbag_kernel(x_user.astype(jnp.int32).T, wrep.reshape(-1))
    return out_t.T

# --- scband reference (transcript-rebuilt; emitter-appended) ---
"""Pipeline reference for scband-dummy-model-11879879542683 (READ-ONLY COPY).

The authoritative reference and input builder live on the scoring server;
editing this copy changes nothing except your own understanding.
"""

import jax, jax.numpy as jnp
import numpy as np

VOCAB = 500
EMBED_DIM = 12
BATCH = 16384
HIST = 200


def setup_inputs(seed: int = 0) -> dict:
    key = jax.random.key(seed)
    k1, k2 = jax.random.split(key)
    x_user = jax.random.randint(k1, (BATCH, HIST), 0, VOCAB)
    # nn.EmbeddingBag weight initialized from N(0, 1)
    weight = jax.random.normal(k2, (VOCAB, EMBED_DIM), dtype=jnp.float32)
    return {"x_user": x_user, "weight": weight}


def reference(x_user, weight):
    # nn.EmbeddingBag with 2D input: each row is a bag; default mode='mean'
    emb = jnp.take(weight, x_user, axis=0)  # [B, L, D] gather
    user = jnp.mean(emb, axis=1)            # [B, D] mean-pool per bag
    return user

if __name__ == "__main__":
    import jax
    _d = setup_inputs()
    print(jax.jit(kernel)(*tuple(_d.values())))

</pallas_src>

<mosaic_0001>
#map = affine_map<(d0, d1) -> (0, 0)>
#map1 = affine_map<(d0, d1) -> (0)>
module attributes {stable_mosaic.version = 14 : i64} {
  func.func @_embbag_kernel(%arg0: i32, %arg1: i32, %arg2: memref<200x16384xi32, #tpu.memory_space<hbm>>, %arg3: memref<49152xi32, #tpu.memory_space<hbm>>, %arg4: memref<12x16384xf32, #tpu.memory_space<hbm>>, %arg5: memref<49152xi32, #tpu.memory_space<vmem>>, %arg6: memref<200x128xi32, #tpu.memory_space<vmem>>, %arg7: memref<200x128xi32, #tpu.memory_space<vmem>>, %arg8: memref<12x512xf32, #tpu.memory_space<vmem>>, %arg9: memref<!tpu.dma_semaphore, #tpu.memory_space<semaphore_mem>>, %arg10: memref<!tpu.dma_semaphore, #tpu.memory_space<semaphore_mem>>, %arg11: memref<!tpu.dma_semaphore, #tpu.memory_space<semaphore_mem>>, %arg12: memref<!tpu.dma_semaphore, #tpu.memory_space<semaphore_mem>>) attributes {dimension_semantics = [#tpu.dimension_semantics<core_parallel>, #tpu.dimension_semantics<subcore_parallel>], iteration_bounds = array<i64: 2, 16>, scalar_prefetch = 0 : i64, scratch_operands = 8 : i64, tpu.core_type = #tpu.core_type<sc_vector_subcore>, window_params = [{transform_indices = #map}, {transform_indices = #map1}, {transform_indices = #map}]} {
    %mul3A = arith.constant 2 : i32
    %mul3A_0 = arith.muli %arg1, %mul3A : i32
    %add3A = arith.addi %mul3A_0, %arg0 : i32
    %mul3A_1 = arith.constant 512 : i32
    %mul3A_2 = arith.muli %add3A, %mul3A_1 : i32
    %add3A_3 = arith.constant 0 : i32
    %add3A_4 = arith.addi %mul3A_2, %add3A_3 : i32
    %add3A_5 = arith.constant 128 : i32
    %add3A_6 = arith.addi %mul3A_2, %add3A_5 : i32
    %add3A_7 = arith.constant 256 : i32
    %add3A_8 = arith.addi %mul3A_2, %add3A_7 : i32
    %add3A_9 = arith.constant 384 : i32
    %add3A_10 = arith.addi %mul3A_2, %add3A_9 : i32
    %dma_start3A = arith.constant 0 : i32
    %dma_start3A_11 = tpu.memref_slice %arg2[%dma_start3A, %add3A_4] : memref<200x16384xi32, #tpu.memory_space<hbm>> -> memref<200x128xi32, #tpu.memory_space<hbm>>
    %dma_start3A_12 = arith.constant 0 : i32
    %dma_start3A_13 = tpu.memref_slice %arg2[%dma_start3A_12, %add3A_4] : memref<200x16384xi32, #tpu.memory_space<hbm>> -> memref<200x128xi32, #tpu.memory_space<hbm>>
    tpu.enqueue_dma source(%dma_start3A_13 : memref<200x128xi32, #tpu.memory_space<hbm>>) target(%arg6 : memref<200x128xi32, #tpu.memory_space<vmem>>) target_semaphore(%arg9 : memref<!tpu.dma_semaphore, #tpu.memory_space<semaphore_mem>>)
    %dma_start3A_14 = arith.constant 0 : i32
    %dma_start3A_15 = tpu.memref_slice %arg2[%dma_start3A_14, %add3A_6] : memref<200x16384xi32, #tpu.memory_space<hbm>> -> memref<200x128xi32, #tpu.memory_space<hbm>>
    %dma_start3A_16 = arith.constant 0 : i32
    %dma_start3A_17 = tpu.memref_slice %arg2[%dma_start3A_16, %add3A_6] : memref<200x16384xi32, #tpu.memory_space<hbm>> -> memref<200x128xi32, #tpu.memory_space<hbm>>
    tpu.enqueue_dma source(%dma_start3A_17 : memref<200x128xi32, #tpu.memory_space<hbm>>) target(%arg7 : memref<200x128xi32, #tpu.memory_space<vmem>>) target_semaphore(%arg10 : memref<!tpu.dma_semaphore, #tpu.memory_space<semaphore_mem>>)
    "tpu.region"() ({
      %run_scoped3A = tpu.sem_alloc : memref<!tpu.dma_semaphore, #tpu.memory_space<semaphore_mem>>
      tpu.enqueue_dma source(%arg3 : memref<49152xi32, #tpu.memory_space<hbm>>) target(%arg5 : memref<49152xi32, #tpu.memory_space<vmem>>) target_semaphore(%run_scoped3A : memref<!tpu.dma_semaphore, #tpu.memory_space<semaphore_mem>>)
      tpu.wait_dma2 semaphore(%run_scoped3A : memref<!tpu.dma_semaphore, #tpu.memory_space<semaphore_mem>>) src(%arg3 : memref<49152xi32, #tpu.memory_space<hbm>>) dst(%arg5 : memref<49152xi32, #tpu.memory_space<vmem>>)
      tpu.yield
    }) : () -> ()
    %iota3A = tpu.iota {dimensions = array<i32: 0>} : vector<16xi32>
    %broadcast_in_dim3A = arith.constant 0.000000e+00 : f32
    %broadcast_in_dim3A_18 = vector.broadcast %broadcast_in_dim3A : f32 to vector<16xf32>
    %dma_wait3A = arith.constant 0 : i32
    %dma_wait3A_19 = tpu.memref_slice %arg2[%dma_wait3A, %add3A_4] : memref<200x16384xi32, #tpu.memory_space<hbm>> -> memref<200x128xi32, #tpu.memory_space<hbm>>
    %dma_wait3A_20 = arith.constant 0 : i32
    %dma_wait3A_21 = tpu.memref_slice %arg2[%dma_wait3A_20, %add3A_4] : memref<200x16384xi32, #tpu.memory_space<hbm>> -> memref<200x128xi32, #tpu.memory_space<hbm>>
    tpu.wait_dma2 semaphore(%arg9 : memref<!tpu.dma_semaphore, #tpu.memory_space<semaphore_mem>>) src(%dma_wait3A_21 : memref<200x128xi32, #tpu.memory_space<hbm>>) dst(%arg6 : memref<200x128xi32, #tpu.memory_space<vmem>>)
    %scan3A = arith.constant 0 : i32
    %scan3A_22 = arith.constant 5.000000e-03 : f32
    %scan3A_23 = arith.constant 0 : i32
    %scan3A_24 = arith.constant 8 : i32
    %scan3A_25 = arith.addi %scan3A_23, %scan3A_24 : i32
    %scan3A_26 = arith.constant 1 : i32
    scf.for %scan3A_69 = %scan3A_23 to %scan3A_25 step %scan3A_26  : i32 {
      %mul3A_70 = arith.constant 16 : i32
      %mul3A_71 = arith.muli %scan3A_69, %mul3A_70 : i32
      %scan3A_72 = arith.constant 0 : i32
      %scan3A_73 = arith.constant 100 : i32
      %scan3A_74 = arith.addi %scan3A_72, %scan3A_73 : i32
      %scan3A_75 = arith.constant 1 : i32
      %scan3A_76:12 = scf.for %scan3A_173 = %scan3A_72 to %scan3A_74 step %scan3A_75 iter_args(%scan3A_174 = %broadcast_in_dim3A_18, %scan3A_175 = %broadcast_in_dim3A_18, %scan3A_176 = %broadcast_in_dim3A_18, %scan3A_177 = %broadcast_in_dim3A_18, %scan3A_178 = %broadcast_in_dim3A_18, %scan3A_179 = %broadcast_in_dim3A_18, %scan3A_180 = %broadcast_in_dim3A_18, %scan3A_181 = %broadcast_in_dim3A_18, %scan3A_182 = %broadcast_in_dim3A_18, %scan3A_183 = %broadcast_in_dim3A_18, %scan3A_184 = %broadcast_in_dim3A_18, %scan3A_185 = %broadcast_in_dim3A_18) -> (vector<16xf32>, vector<16xf32>, vector<16xf32>, vector<16xf32>, vector<16xf32>, vector<16xf32>, vector<16xf32>, vector<16xf32>, vector<16xf32>, vector<16xf32>, vector<16xf32>, vector<16xf32>)  : i32 {
        %mul3A_186 = arith.constant 2 : i32
        %mul3A_187 = arith.muli %scan3A_173, %mul3A_186 : i32
        %add3A_188 = arith.constant 0 : i32
        %add3A_189 = arith.addi %mul3A_187, %add3A_188 : i32
        %get3A = arith.index_cast %add3A_189 : i32 to index
        %get3A_190 = arith.index_cast %mul3A_71 : i32 to index
        %get3A_191 = tpu.vector_load %arg6[%get3A, %get3A_190] {strides = array<i32>} : memref<200x128xi32, #tpu.memory_space<vmem>>, vector<16xi32>,
        %mul3A_192 = arith.constant 96 : i32
        %mul3A_193 = vector.broadcast %mul3A_192 : i32 to vector<16xi32>
        %mul3A_194 = arith.muli %get3A_191, %mul3A_193 : vector<16xi32>
        %add3A_195 = arith.addi %mul3A_194, %iota3A : vector<16xi32>
        %gather3A = arith.constant 0 : i32
        %gather3A_196 = tpu.memref_slice %arg5[%gather3A] : memref<49152xi32, #tpu.memory_space<vmem>> -> memref<49056xi32, #tpu.memory_space<vmem>>
        %gather3A_197 = tpu.vector_load_idx %gather3A_196[%add3A_195] : memref<49056xi32, #tpu.memory_space<vmem>>[vector<16xi32>], vector<16xi32>,
        %shift_left3A = arith.constant 16 : i32
        %shift_left3A_198 = vector.broadcast %shift_left3A : i32 to vector<16xi32>
        %shift_left3A_199 = arith.shli %gather3A_197, %shift_left3A_198 : vector<16xi32>
        %bitcast3A = vector.bitcast %shift_left3A_199 : vector<16xi32> to vector<16xf32>
        %add3A_200 = arith.addf %scan3A_174, %bitcast3A : vector<16xf32>
        %bitcast3A_201 = vector.bitcast %gather3A_197 : vector<16xi32> to vector<16xf32>
        %add3A_202 = arith.addf %scan3A_175, %bitcast3A_201 : vector<16xf32>
        %gather3A_203 = arith.constant 16 : i32
        %gather3A_204 = tpu.memref_slice %arg5[%gather3A_203] : memref<49152xi32, #tpu.memory_space<vmem>> -> memref<49056xi32, #tpu.memory_space<vmem>>
        %gather3A_205 = tpu.vector_load_idx %gather3A_204[%add3A_195] : memref<49056xi32, #tpu.memory_space<vmem>>[vector<16xi32>], vector<16xi32>,
        %shift_left3A_206 = arith.constant 16 : i32
        %shift_left3A_207 = vector.broadcast %shift_left3A_206 : i32 to vector<16xi32>
        %shift_left3A_208 = arith.shli %gather3A_205, %shift_left3A_207 : vector<16xi32>
        %bitcast3A_209 = vector.bitcast %shift_left3A_208 : vector<16xi32> to vector<16xf32>
        %add3A_210 = arith.addf %scan3A_176, %bitcast3A_209 : vector<16xf32>
        %bitcast3A_211 = vector.bitcast %gather3A_205 : vector<16xi32> to vector<16xf32>
        %add3A_212 = arith.addf %scan3A_177, %bitcast3A_211 : vector<16xf32>
        %gather3A_213 = arith.constant 32 : i32
        %gather3A_214 = tpu.memref_slice %arg5[%gather3A_213] : memref<49152xi32, #tpu.memory_space<vmem>> -> memref<49056xi32, #tpu.memory_space<vmem>>
        %gather3A_215 = tpu.vector_load_idx %gather3A_214[%add3A_195] : memref<49056xi32, #tpu.memory_space<vmem>>[vector<16xi32>], vector<16xi32>,
        %shift_left3A_216 = arith.constant 16 : i32
        %shift_left3A_217 = vector.broadcast %shift_left3A_216 : i32 to vector<16xi32>
        %shift_left3A_218 = arith.shli %gather3A_215, %shift_left3A_217 : vector<16xi32>
        %bitcast3A_219 = vector.bitcast %shift_left3A_218 : vector<16xi32> to vector<16xf32>
        %add3A_220 = arith.addf %scan3A_178, %bitcast3A_219 : vector<16xf32>
        %bitcast3A_221 = vector.bitcast %gather3A_215 : vector<16xi32> to vector<16xf32>
        %add3A_222 = arith.addf %scan3A_179, %bitcast3A_221 : vector<16xf32>
        %gather3A_223 = arith.constant 48 : i32
        %gather3A_224 = tpu.memref_slice %arg5[%gather3A_223] : memref<49152xi32, #tpu.memory_space<vmem>> -> memref<49056xi32, #tpu.memory_space<vmem>>
        %gather3A_225 = tpu.vector_load_idx %gather3A_224[%add3A_195] : memref<49056xi32, #tpu.memory_space<vmem>>[vector<16xi32>], vector<16xi32>,
        %shift_left3A_226 = arith.constant 16 : i32
        %shift_left3A_227 = vector.broadcast %shift_left3A_226 : i32 to vector<16xi32>
        %shift_left3A_228 = arith.shli %gather3A_225, %shift_left3A_227 : vector<16xi32>
        %bitcast3A_229 = vector.bitcast %shift_left3A_228 : vector<16xi32> to vector<16xf32>
        %add3A_230 = arith.addf %scan3A_180, %bitcast3A_229 : vector<16xf32>
        %bitcast3A_231 = vector.bitcast %gather3A_225 : vector<16xi32> to vector<16xf32>
        %add3A_232 = arith.addf %scan3A_181, %bitcast3A_231 : vector<16xf32>
        %gather3A_233 = arith.constant 64 : i32
        %gather3A_234 = tpu.memref_slice %arg5[%gather3A_233] : memref<49152xi32, #tpu.memory_space<vmem>> -> memref<49056xi32, #tpu.memory_space<vmem>>
        %gather3A_235 = tpu.vector_load_idx %gather3A_234[%add3A_195] : memref<49056xi32, #tpu.memory_space<vmem>>[vector<16xi32>], vector<16xi32>,
        %shift_left3A_236 = arith.constant 16 : i32
        %shift_left3A_237 = vector.broadcast %shift_left3A_236 : i32 to vector<16xi32>
        %shift_left3A_238 = arith.shli %gather3A_235, %shift_left3A_237 : vector<16xi32>
        %bitcast3A_239 = vector.bitcast %shift_left3A_238 : vector<16xi32> to vector<16xf32>
        %add3A_240 = arith.addf %scan3A_182, %bitcast3A_239 : vector<16xf32>
        %bitcast3A_241 = vector.bitcast %gather3A_235 : vector<16xi32> to vector<16xf32>
        %add3A_242 = arith.addf %scan3A_183, %bitcast3A_241 : vector<16xf32>
        %gather3A_243 = arith.constant 80 : i32
        %gather3A_244 = tpu.memref_slice %arg5[%gather3A_243] : memref<49152xi32, #tpu.memory_space<vmem>> -> memref<49056xi32, #tpu.memory_space<vmem>>
        %gather3A_245 = tpu.vector_load_idx %gather3A_244[%add3A_195] : memref<49056xi32, #tpu.memory_space<vmem>>[vector<16xi32>], vector<16xi32>,
        %shift_left3A_246 = arith.constant 16 : i32
        %shift_left3A_247 = vector.broadcast %shift_left3A_246 : i32 to vector<16xi32>
        %shift_left3A_248 = arith.shli %gather3A_245, %shift_left3A_247 : vector<16xi32>
        %bitcast3A_249 = vector.bitcast %shift_left3A_248 : vector<16xi32> to vector<16xf32>
        %add3A_250 = arith.addf %scan3A_184, %bitcast3A_249 : vector<16xf32>
        %bitcast3A_251 = vector.bitcast %gather3A_245 : vector<16xi32> to vector<16xf32>
        %add3A_252 = arith.addf %scan3A_185, %bitcast3A_251 : vector<16xf32>
        %add3A_253 = arith.constant 1 : i32
        %add3A_254 = arith.addi %mul3A_187, %add3A_253 : i32
        %get3A_255 = arith.index_cast %add3A_254 : i32 to index
        %get3A_256 = arith.index_cast %mul3A_71 : i32 to index
        %get3A_257 = tpu.vector_load %arg6[%get3A_255, %get3A_256] {strides = array<i32>} : memref<200x128xi32, #tpu.memory_space<vmem>>, vector<16xi32>,
        %mul3A_258 = arith.constant 96 : i32
        %mul3A_259 = vector.broadcast %mul3A_258 : i32 to vector<16xi32>
        %mul3A_260 = arith.muli %get3A_257, %mul3A_259 : vector<16xi32>
        %add3A_261 = arith.addi %mul3A_260, %iota3A : vector<16xi32>
        %gather3A_262 = arith.constant 0 : i32
        %gather3A_263 = tpu.memref_slice %arg5[%gather3A_262] : memref<49152xi32, #tpu.memory_space<vmem>> -> memref<49056xi32, #tpu.memory_space<vmem>>
        %gather3A_264 = tpu.vector_load_idx %gather3A_263[%add3A_261] : memref<49056xi32, #tpu.memory_space<vmem>>[vector<16xi32>], vector<16xi32>,
        %shift_left3A_265 = arith.constant 16 : i32
        %shift_left3A_266 = vector.broadcast %shift_left3A_265 : i32 to vector<16xi32>
        %shift_left3A_267 = arith.shli %gather3A_264, %shift_left3A_266 : vector<16xi32>
        %bitcast3A_268 = vector.bitcast %shift_left3A_267 : vector<16xi32> to vector<16xf32>
        %add3A_269 = arith.addf %add3A_200, %bitcast3A_268 : vector<16xf32>
        %bitcast3A_270 = vector.bitcast %gather3A_264 : vector<16xi32> to vector<16xf32>
        %add3A_271 = arith.addf %add3A_202, %bitcast3A_270 : vector<16xf32>
        %gather3A_272 = arith.constant 16 : i32
        %gather3A_273 = tpu.memref_slice %arg5[%gather3A_272] : memref<49152xi32, #tpu.memory_space<vmem>> -> memref<49056xi32, #tpu.memory_space<vmem>>
        %gather3A_274 = tpu.vector_load_idx %gather3A_273[%add3A_261] : memref<49056xi32, #tpu.memory_space<vmem>>[vector<16xi32>], vector<16xi32>,
        %shift_left3A_275 = arith.constant 16 : i32
        %shift_left3A_276 = vector.broadcast %shift_left3A_275 : i32 to vector<16xi32>
        %shift_left3A_277 = arith.shli %gather3A_274, %shift_left3A_276 : vector<16xi32>
        %bitcast3A_278 = vector.bitcast %shift_left3A_277 : vector<16xi32> to vector<16xf32>
        %add3A_279 = arith.addf %add3A_210, %bitcast3A_278 : vector<16xf32>
        %bitcast3A_280 = vector.bitcast %gather3A_274 : vector<16xi32> to vector<16xf32>
        %add3A_281 = arith.addf %add3A_212, %bitcast3A_280 : vector<16xf32>
        %gather3A_282 = arith.constant 32 : i32
        %gather3A_283 = tpu.memref_slice %arg5[%gather3A_282] : memref<49152xi32, #tpu.memory_space<vmem>> -> memref<49056xi32, #tpu.memory_space<vmem>>
        %gather3A_284 = tpu.vector_load_idx %gather3A_283[%add3A_261] : memref<49056xi32, #tpu.memory_space<vmem>>[vector<16xi32>], vector<16xi32>,
        %shift_left3A_285 = arith.constant 16 : i32
        %shift_left3A_286 = vector.broadcast %shift_left3A_285 : i32 to vector<16xi32>
        %shift_left3A_287 = arith.shli %gather3A_284, %shift_left3A_286 : vector<16xi32>
        %bitcast3A_288 = vector.bitcast %shift_left3A_287 : vector<16xi32> to vector<16xf32>
        %add3A_289 = arith.addf %add3A_220, %bitcast3A_288 : vector<16xf32>
        %bitcast3A_290 = vector.bitcast %gather3A_284 : vector<16xi32> to vector<16xf32>
        %add3A_291 = arith.addf %add3A_222, %bitcast3A_290 : vector<16xf32>
        %gather3A_292 = arith.constant 48 : i32
        %gather3A_293 = tpu.memref_slice %arg5[%gather3A_292] : memref<49152xi32, #tpu.memory_space<vmem>> -> memref<49056xi32, #tpu.memory_space<vmem>>
        %gather3A_294 = tpu.vector_load_idx %gather3A_293[%add3A_261] : memref<49056xi32, #tpu.memory_space<vmem>>[vector<16xi32>], vector<16xi32>,
        %shift_left3A_295 = arith.constant 16 : i32
        %shift_left3A_296 = vector.broadcast %shift_left3A_295 : i32 to vector<16xi32>
        %shift_left3A_297 = arith.shli %gather3A_294, %shift_left3A_296 : vector<16xi32>
        %bitcast3A_298 = vector.bitcast %shift_left3A_297 : vector<16xi32> to vector<16xf32>
        %add3A_299 = arith.addf %add3A_230, %bitcast3A_298 : vector<16xf32>
        %bitcast3A_300 = vector.bitcast %gather3A_294 : vector<16xi32> to vector<16xf32>
        %add3A_301 = arith.addf %add3A_232, %bitcast3A_300 : vector<16xf32>
        %gather3A_302 = arith.constant 64 : i32
        %gather3A_303 = tpu.memref_slice %arg5[%gather3A_302] : memref<49152xi32, #tpu.memory_space<vmem>> -> memref<49056xi32, #tpu.memory_space<vmem>>
        %gather3A_304 = tpu.vector_load_idx %gather3A_303[%add3A_261] : memref<49056xi32, #tpu.memory_space<vmem>>[vector<16xi32>], vector<16xi32>,
        %shift_left3A_305 = arith.constant 16 : i32
        %shift_left3A_306 = vector.broadcast %shift_left3A_305 : i32 to vector<16xi32>
        %shift_left3A_307 = arith.shli %gather3A_304, %shift_left3A_306 : vector<16xi32>
        %bitcast3A_308 = vector.bitcast %shift_left3A_307 : vector<16xi32> to vector<16xf32>
        %add3A_309 = arith.addf %add3A_240, %bitcast3A_308 : vector<16xf32>
        %bitcast3A_310 = vector.bitcast %gather3A_304 : vector<16xi32> to vector<16xf32>
        %add3A_311 = arith.addf %add3A_242, %bitcast3A_310 : vector<16xf32>
        %gather3A_312 = arith.constant 80 : i32
        %gather3A_313 = tpu.memref_slice %arg5[%gather3A_312] : memref<49152xi32, #tpu.memory_space<vmem>> -> memref<49056xi32, #tpu.memory_space<vmem>>
        %gather3A_314 = tpu.vector_load_idx %gather3A_313[%add3A_261] : memref<49056xi32, #tpu.memory_space<vmem>>[vector<16xi32>], vector<16xi32>,
        %shift_left3A_315 = arith.constant 16 : i32
        %shift_left3A_316 = vector.broadcast %shift_left3A_315 : i32 to vector<16xi32>
        %shift_left3A_317 = arith.shli %gather3A_314, %shift_left3A_316 : vector<16xi32>
        %bitcast3A_318 = vector.bitcast %shift_left3A_317 : vector<16xi32> to vector<16xf32>
        %add3A_319 = arith.addf %add3A_250, %bitcast3A_318 : vector<16xf32>
        %bitcast3A_320 = vector.bitcast %gather3A_314 : vector<16xi32> to vector<16xf32>
        %add3A_321 = arith.addf %add3A_252, %bitcast3A_320 : vector<16xf32>
        scf.yield %add3A_269, %add3A_271, %add3A_279, %add3A_281, %add3A_289, %add3A_291, %add3A_299, %add3A_301, %add3A_309, %add3A_311, %add3A_319, %add3A_321 : vector<16xf32>, vector<16xf32>, vector<16xf32>, vector<16xf32>, vector<16xf32>, vector<16xf32>, vector<16xf32>, vector<16xf32>, vector<16xf32>, vector<16xf32>, vector<16xf32>, vector<16xf32>
      }
      %scan3A_77 = arith.constant 100 : i32
      %mul3A_78 = vector.broadcast %scan3A_22 : f32 to vector<16xf32>
      %mul3A_79 = arith.mulf %scan3A_76#0, %mul3A_78 : vector<16xf32>
      %add3A_80 = arith.constant 0 : i32
      %add3A_81 = arith.addi %add3A_80, %mul3A_71 : i32
      %swap3A = arith.constant 0 : i32
      %swap3A_82 = arith.index_cast %swap3A : i32 to index
      %swap3A_83 = arith.index_cast %add3A_81 : i32 to index
      %swap3A_84 = tpu.vector_load %arg8[%swap3A_82, %swap3A_83] {strides = array<i32>} : memref<12x512xf32, #tpu.memory_space<vmem>>, vector<16xf32>,
      tpu.vector_store %arg8[%swap3A_82, %swap3A_83], %mul3A_79 {strides = array<i32>} : memref<12x512xf32, #tpu.memory_space<vmem>>, vector<16xf32>,
      %mul3A_85 = vector.broadcast %scan3A_22 : f32 to vector<16xf32>
      %mul3A_86 = arith.mulf %scan3A_76#1, %mul3A_85 : vector<16xf32>
      %add3A_87 = arith.constant 0 : i32
      %add3A_88 = arith.addi %add3A_87, %mul3A_71 : i32
      %swap3A_89 = arith.constant 1 : i32
      %swap3A_90 = arith.index_cast %swap3A_89 : i32 to index
      %swap3A_91 = arith.index_cast %add3A_88 : i32 to index
      %swap3A_92 = tpu.vector_load %arg8[%swap3A_90, %swap3A_91] {strides = array<i32>} : memref<12x512xf32, #tpu.memory_space<vmem>>, vector<16xf32>,
      tpu.vector_store %arg8[%swap3A_90, %swap3A_91], %mul3A_86 {strides = array<i32>} : memref<12x512xf32, #tpu.memory_space<vmem>>, vector<16xf32>,
      %mul3A_93 = vector.broadcast %scan3A_22 : f32 to vector<16xf32>
      %mul3A_94 = arith.mulf %scan3A_76#2, %mul3A_93 : vector<16xf32>
      %add3A_95 = arith.constant 0 : i32
      %add3A_96 = arith.addi %add3A_95, %mul3A_71 : i32
      %swap3A_97 = arith.constant 2 : i32
      %swap3A_98 = arith.index_cast %swap3A_97 : i32 to index
      %swap3A_99 = arith.index_cast %add3A_96 : i32 to index
      %swap3A_100 = tpu.vector_load %arg8[%swap3A_98, %swap3A_99] {strides = array<i32>} : memref<12x512xf32, #tpu.memory_space<vmem>>, vector<16xf32>,
      tpu.vector_store %arg8[%swap3A_98, %swap3A_99], %mul3A_94 {strides = array<i32>} : memref<12x512xf32, #tpu.memory_space<vmem>>, vector<16xf32>,
      %mul3A_101 = vector.broadcast %scan3A_22 : f32 to vector<16xf32>
      %mul3A_102 = arith.mulf %scan3A_76#3, %mul3A_101 : vector<16xf32>
      %add3A_103 = arith.constant 0 : i32
      %add3A_104 = arith.addi %add3A_103, %mul3A_71 : i32
      %swap3A_105 = arith.constant 3 : i32
      %swap3A_106 = arith.index_cast %swap3A_105 : i32 to index
      %swap3A_107 = arith.index_cast %add3A_104 : i32 to index
      %swap3A_108 = tpu.vector_load %arg8[%swap3A_106, %swap3A_107] {strides = array<i32>} : memref<12x512xf32, #tpu.memory_space<vmem>>, vector<16xf32>,
      tpu.vector_store %arg8[%swap3A_106, %swap3A_107], %mul3A_102 {strides = array<i32>} : memref<12x512xf32, #tpu.memory_space<vmem>>, vector<16xf32>,
      %mul3A_109 = vector.broadcast %scan3A_22 : f32 to vector<16xf32>
      %mul3A_110 = arith.mulf %scan3A_76#4, %mul3A_109 : vector<16xf32>
      %add3A_111 = arith.constant 0 : i32
      %add3A_112 = arith.addi %add3A_111, %mul3A_71 : i32
      %swap3A_113 = arith.constant 4 : i32
      %swap3A_114 = arith.index_cast %swap3A_113 : i32 to index
      %swap3A_115 = arith.index_cast %add3A_112 : i32 to index
      %swap3A_116 = tpu.vector_load %arg8[%swap3A_114, %swap3A_115] {strides = array<i32>} : memref<12x512xf32, #tpu.memory_space<vmem>>, vector<16xf32>,
      tpu.vector_store %arg8[%swap3A_114, %swap3A_115], %mul3A_110 {strides = array<i32>} : memref<12x512xf32, #tpu.memory_space<vmem>>, vector<16xf32>,
      %mul3A_117 = vector.broadcast %scan3A_22 : f32 to vector<16xf32>
      %mul3A_118 = arith.mulf %scan3A_76#5, %mul3A_117 : vector<16xf32>
      %add3A_119 = arith.constant 0 : i32
      %add3A_120 = arith.addi %add3A_119, %mul3A_71 : i32
      %swap3A_121 = arith.constant 5 : i32
      %swap3A_122 = arith.index_cast %swap3A_121 : i32 to index
      %swap3A_123 = arith.index_cast %add3A_120 : i32 to index
      %swap3A_124 = tpu.vector_load %arg8[%swap3A_122, %swap3A_123] {strides = array<i32>} : memref<12x512xf32, #tpu.memory_space<vmem>>, vector<16xf32>,
      tpu.vector_store %arg8[%swap3A_122, %swap3A_123], %mul3A_118 {strides = array<i32>} : memref<12x512xf32, #tpu.memory_space<vmem>>, vector<16xf32>,
      %mul3A_125 = vector.broadcast %scan3A_22 : f32 to vector<16xf32>
      %mul3A_126 = arith.mulf %scan3A_76#6, %mul3A_125 : vector<16xf32>
      %add3A_127 = arith.constant 0 : i32
      %add3A_128 = arith.addi %add3A_127, %mul3A_71 : i32
      %swap3A_129 = arith.constant 6 : i32
      %swap3A_130 = arith.index_cast %swap3A_129 : i32 to index
      %swap3A_131 = arith.index_cast %add3A_128 : i32 to index
      %swap3A_132 = tpu.vector_load %arg8[%swap3A_130, %swap3A_131] {strides = array<i32>} : memref<12x512xf32, #tpu.memory_space<vmem>>, vector<16xf32>,
      tpu.vector_store %arg8[%swap3A_130, %swap3A_131], %mul3A_126 {strides = array<i32>} : memref<12x512xf32, #tpu.memory_space<vmem>>, vector<16xf32>,
      %mul3A_133 = vector.broadcast %scan3A_22 : f32 to vector<16xf32>
      %mul3A_134 = arith.mulf %scan3A_76#7, %mul3A_133 : vector<16xf32>
      %add3A_135 = arith.constant 0 : i32
      %add3A_136 = arith.addi %add3A_135, %mul3A_71 : i32
      %swap3A_137 = arith.constant 7 : i32
      %swap3A_138 = arith.index_cast %swap3A_137 : i32 to index
      %swap3A_139 = arith.index_cast %add3A_136 : i32 to index
      %swap3A_140 = tpu.vector_load %arg8[%swap3A_138, %swap3A_139] {strides = array<i32>} : memref<12x512xf32, #tpu.memory_space<vmem>>, vector<16xf32>,
      tpu.vector_store %arg8[%swap3A_138, %swap3A_139], %mul3A_134 {strides = array<i32>} : memref<12x512xf32, #tpu.memory_space<vmem>>, vector<16xf32>,
      %mul3A_141 = vector.broadcast %scan3A_22 : f32 to vector<16xf32>
      %mul3A_142 = arith.mulf %scan3A_76#8, %mul3A_141 : vector<16xf32>
      %add3A_143 = arith.constant 0 : i32
      %add3A_144 = arith.addi %add3A_143, %mul3A_71 : i32
      %swap3A_145 = arith.constant 8 : i32
      %swap3A_146 = arith.index_cast %swap3A_145 : i32 to index
      %swap3A_147 = arith.index_cast %add3A_144 : i32 to index
      %swap3A_148 = tpu.vector_load %arg8[%swap3A_146, %swap3A_147] {strides = array<i32>} : memref<12x512xf32, #tpu.memory_space<vmem>>, vector<16xf32>,
      tpu.vector_store %arg8[%swap3A_146, %swap3A_147], %mul3A_142 {strides = array<i32>} : memref<12x512xf32, #tpu.memory_space<vmem>>, vector<16xf32>,
      %mul3A_149 = vector.broadcast %scan3A_22 : f32 to vector<16xf32>
      %mul3A_150 = arith.mulf %scan3A_76#9, %mul3A_149 : vector<16xf32>
      %add3A_151 = arith.constant 0 : i32
      %add3A_152 = arith.addi %add3A_151, %mul3A_71 : i32
      %swap3A_153 = arith.constant 9 : i32
      %swap3A_154 = arith.index_cast %swap3A_153 : i32 to index
      %swap3A_155 = arith.index_cast %add3A_152 : i32 to index
      %swap3A_156 = tpu.vector_load %arg8[%swap3A_154, %swap3A_155] {strides = array<i32>} : memref<12x512xf32, #tpu.memory_space<vmem>>, vector<16xf32>,
      tpu.vector_store %arg8[%swap3A_154, %swap3A_155], %mul3A_150 {strides = array<i32>} : memref<12x512xf32, #tpu.memory_space<vmem>>, vector<16xf32>,
      %mul3A_157 = vector.broadcast %scan3A_22 : f32 to vector<16xf32>
      %mul3A_158 = arith.mulf %scan3A_76#10, %mul3A_157 : vector<16xf32>
      %add3A_159 = arith.constant 0 : i32
      %add3A_160 = arith.addi %add3A_159, %mul3A_71 : i32
      %swap3A_161 = arith.constant 10 : i32
      %swap3A_162 = arith.index_cast %swap3A_161 : i32 to index
      %swap3A_163 = arith.index_cast %add3A_160 : i32 to index
      %swap3A_164 = tpu.vector_load %arg8[%swap3A_162, %swap3A_163] {strides = array<i32>} : memref<12x512xf32, #tpu.memory_space<vmem>>, vector<16xf32>,
      tpu.vector_store %arg8[%swap3A_162, %swap3A_163], %mul3A_158 {strides = array<i32>} : memref<12x512xf32, #tpu.memory_space<vmem>>, vector<16xf32>,
      %mul3A_165 = vector.broadcast %scan3A_22 : f32 to vector<16xf32>
      %mul3A_166 = arith.mulf %scan3A_76#11, %mul3A_165 : vector<16xf32>
      %add3A_167 = arith.constant 0 : i32
      %add3A_168 = arith.addi %add3A_167, %mul3A_71 : i32
      %swap3A_169 = arith.constant 11 : i32
      %swap3A_170 = arith.index_cast %swap3A_169 : i32 to index
      %swap3A_171 = arith.index_cast %add3A_168 : i32 to index
      %swap3A_172 = tpu.vector_load %arg8[%swap3A_170, %swap3A_171] {strides = array<i32>} : memref<12x512xf32, #tpu.memory_space<vmem>>, vector<16xf32>,
      tpu.vector_store %arg8[%swap3A_170, %swap3A_171], %mul3A_166 {strides = array<i32>} : memref<12x512xf32, #tpu.memory_space<vmem>>, vector<16xf32>,
    }
    %scan3A_27 = arith.constant 8 : i32
    %dma_start3A_28 = arith.constant 0 : i32
    %dma_start3A_29 = tpu.memref_slice %arg2[%dma_start3A_28, %add3A_8] : memref<200x16384xi32, #tpu.memory_space<hbm>> -> memref<200x128xi32, #tpu.memory_space<hbm>>
    %dma_start3A_30 = arith.constant 0 : i32
    %dma_start3A_31 = tpu.memref_slice %arg2[%dma_start3A_30, %add3A_8] : memref<200x16384xi32, #tpu.memory_space<hbm>> -> memref<200x128xi32, #tpu.memory_space<hbm>>
    tpu.enqueue_dma source(%dma_start3A_31 : memref<200x128xi32, #tpu.memory_space<hbm>>) target(%arg6 : memref<200x128xi32, #tpu.memory_space<vmem>>) target_semaphore(%arg11 : memref<!tpu.dma_semaphore, #tpu.memory_space<semaphore_mem>>)
    %dma_wait3A_32 = arith.constant 0 : i32
    %dma_wait3A_33 = tpu.memref_slice %arg2[%dma_wait3A_32, %add3A_6] : memref<200x16384xi32, #tpu.memory_space<hbm>> -> memref<200x128xi32, #tpu.memory_space<hbm>>
    %dma_wait3A_34 = arith.constant 0 : i32
    %dma_wait3A_35 = tpu.memref_slice %arg2[%dma_wait3A_34, %add3A_6] : memref<200x16384xi32, #tpu.memory_space<hbm>> -> memref<200x128xi32, #tpu.memory_space<hbm>>
    tpu.wait_dma2 semaphore(%arg10 : memref<!tpu.dma_semaphore, #tpu.memory_space<semaphore_mem>>) src(%dma_wait3A_35 : memref<200x128xi32, #tpu.memory_space<hbm>>) dst(%arg7 : memref<200x128xi32, #tpu.memory_space<vmem>>)
    %scan3A_36 = arith.constant 0 : i32
    %scan3A_37 = arith.constant 5.000000e-03 : f32
    %scan3A_38 = arith.constant 0 : i32
    %scan3A_39 = arith.constant 8 : i32
    %scan3A_40 = arith.addi %scan3A_38, %scan3A_39 : i32
    %scan3A_41 = arith.constant 1 : i32
    scf.for %scan3A_69 = %scan3A_38 to %scan3A_40 step %scan3A_41  : i32 {
      %mul3A_70 = arith.constant 16 : i32
      %mul3A_71 = arith.muli %scan3A_69, %mul3A_70 : i32
      %scan3A_72 = arith.constant 0 : i32
      %scan3A_73 = arith.constant 100 : i32
      %scan3A_74 = arith.addi %scan3A_72, %scan3A_73 : i32
      %scan3A_75 = arith.constant 1 : i32
      %scan3A_76:12 = scf.for %scan3A_173 = %scan3A_72 to %scan3A_74 step %scan3A_75 iter_args(%scan3A_174 = %broadcast_in_dim3A_18, %scan3A_175 = %broadcast_in_dim3A_18, %scan3A_176 = %broadcast_in_dim3A_18, %scan3A_177 = %broadcast_in_dim3A_18, %scan3A_178 = %broadcast_in_dim3A_18, %scan3A_179 = %broadcast_in_dim3A_18, %scan3A_180 = %broadcast_in_dim3A_18, %scan3A_181 = %broadcast_in_dim3A_18, %scan3A_182 = %broadcast_in_dim3A_18, %scan3A_183 = %broadcast_in_dim3A_18, %scan3A_184 = %broadcast_in_dim3A_18, %scan3A_185 = %broadcast_in_dim3A_18) -> (vector<16xf32>, vector<16xf32>, vector<16xf32>, vector<16xf32>, vector<16xf32>, vector<16xf32>, vector<16xf32>, vector<16xf32>, vector<16xf32>, vector<16xf32>, vector<16xf32>, vector<16xf32>)  : i32 {
        %mul3A_186 = arith.constant 2 : i32
        %mul3A_187 = arith.muli %scan3A_173, %mul3A_186 : i32
        %add3A_188 = arith.constant 0 : i32
        %add3A_189 = arith.addi %mul3A_187, %add3A_188 : i32
        %get3A = arith.index_cast %add3A_189 : i32 to index
        %get3A_190 = arith.index_cast %mul3A_71 : i32 to index
        %get3A_191 = tpu.vector_load %arg7[%get3A, %get3A_190] {strides = array<i32>} : memref<200x128xi32, #tpu.memory_space<vmem>>, vector<16xi32>,
        %mul3A_192 = arith.constant 96 : i32
        %mul3A_193 = vector.broadcast %mul3A_192 : i32 to vector<16xi32>
        %mul3A_194 = arith.muli %get3A_191, %mul3A_193 : vector<16xi32>
        %add3A_195 = arith.addi %mul3A_194, %iota3A : vector<16xi32>
        %gather3A = arith.constant 0 : i32
        %gather3A_196 = tpu.memref_slice %arg5[%gather3A] : memref<49152xi32, #tpu.memory_space<vmem>> -> memref<49056xi32, #tpu.memory_space<vmem>>
        %gather3A_197 = tpu.vector_load_idx %gather3A_196[%add3A_195] : memref<49056xi32, #tpu.memory_space<vmem>>[vector<16xi32>], vector<16xi32>,
        %shift_left3A = arith.constant 16 : i32
        %shift_left3A_198 = vector.broadcast %shift_left3A : i32 to vector<16xi32>
        %shift_left3A_199 = arith.shli %gather3A_197, %shift_left3A_198 : vector<16xi32>
        %bitcast3A = vector.bitcast %shift_left3A_199 : vector<16xi32> to vector<16xf32>
        %add3A_200 = arith.addf %scan3A_174, %bitcast3A : vector<16xf32>
        %bitcast3A_201 = vector.bitcast %gather3A_197 : vector<16xi32> to vector<16xf32>
        %add3A_202 = arith.addf %scan3A_175, %bitcast3A_201 : vector<16xf32>
        %gather3A_203 = arith.constant 16 : i32
        %gather3A_204 = tpu.memref_slice %arg5[%gather3A_203] : memref<49152xi32, #tpu.memory_space<vmem>> -> memref<49056xi32, #tpu.memory_space<vmem>>
        %gather3A_205 = tpu.vector_load_idx %gather3A_204[%add3A_195] : memref<49056xi32, #tpu.memory_space<vmem>>[vector<16xi32>], vector<16xi32>,
        %shift_left3A_206 = arith.constant 16 : i32
        %shift_left3A_207 = vector.broadcast %shift_left3A_206 : i32 to vector<16xi32>
        %shift_left3A_208 = arith.shli %gather3A_205, %shift_left3A_207 : vector<16xi32>
        %bitcast3A_209 = vector.bitcast %shift_left3A_208 : vector<16xi32> to vector<16xf32>
        %add3A_210 = arith.addf %scan3A_176, %bitcast3A_209 : vector<16xf32>
        %bitcast3A_211 = vector.bitcast %gather3A_205 : vector<16xi32> to vector<16xf32>
        %add3A_212 = arith.addf %scan3A_177, %bitcast3A_211 : vector<16xf32>
        %gather3A_213 = arith.constant 32 : i32
        %gather3A_214 = tpu.memref_slice %arg5[%gather3A_213] : memref<49152xi32, #tpu.memory_space<vmem>> -> memref<49056xi32, #tpu.memory_space<vmem>>
        %gather3A_215 = tpu.vector_load_idx %gather3A_214[%add3A_195] : memref<49056xi32, #tpu.memory_space<vmem>>[vector<16xi32>], vector<16xi32>,
        %shift_left3A_216 = arith.constant 16 : i32
        %shift_left3A_217 = vector.broadcast %shift_left3A_216 : i32 to vector<16xi32>
        %shift_left3A_218 = arith.shli %gather3A_215, %shift_left3A_217 : vector<16xi32>
        %bitcast3A_219 = vector.bitcast %shift_left3A_218 : vector<16xi32> to vector<16xf32>
        %add3A_220 = arith.addf %scan3A_178, %bitcast3A_219 : vector<16xf32>
        %bitcast3A_221 = vector.bitcast %gather3A_215 : vector<16xi32> to vector<16xf32>
        %add3A_222 = arith.addf %scan3A_179, %bitcast3A_221 : vector<16xf32>
        %gather3A_223 = arith.constant 48 : i32
        %gather3A_224 = tpu.memref_slice %arg5[%gather3A_223] : memref<49152xi32, #tpu.memory_space<vmem>> -> memref<49056xi32, #tpu.memory_space<vmem>>
        %gather3A_225 = tpu.vector_load_idx %gather3A_224[%add3A_195] : memref<49056xi32, #tpu.memory_space<vmem>>[vector<16xi32>], vector<16xi32>,
        %shift_left3A_226 = arith.constant 16 : i32
        %shift_left3A_227 = vector.broadcast %shift_left3A_226 : i32 to vector<16xi32>
        %shift_left3A_228 = arith.shli %gather3A_225, %shift_left3A_227 : vector<16xi32>
        %bitcast3A_229 = vector.bitcast %shift_left3A_228 : vector<16xi32> to vector<16xf32>
        %add3A_230 = arith.addf %scan3A_180, %bitcast3A_229 : vector<16xf32>
        %bitcast3A_231 = vector.bitcast %gather3A_225 : vector<16xi32> to vector<16xf32>
        %add3A_232 = arith.addf %scan3A_181, %bitcast3A_231 : vector<16xf32>
        %gather3A_233 = arith.constant 64 : i32
        %gather3A_234 = tpu.memref_slice %arg5[%gather3A_233] : memref<49152xi32, #tpu.memory_space<vmem>> -> memref<49056xi32, #tpu.memory_space<vmem>>
        %gather3A_235 = tpu.vector_load_idx %gather3A_234[%add3A_195] : memref<49056xi32, #tpu.memory_space<vmem>>[vector<16xi32>], vector<16xi32>,
        %shift_left3A_236 = arith.constant 16 : i32
        %shift_left3A_237 = vector.broadcast %shift_left3A_236 : i32 to vector<16xi32>
        %shift_left3A_238 = arith.shli %gather3A_235, %shift_left3A_237 : vector<16xi32>
        %bitcast3A_239 = vector.bitcast %shift_left3A_238 : vector<16xi32> to vector<16xf32>
        %add3A_240 = arith.addf %scan3A_182, %bitcast3A_239 : vector<16xf32>
        %bitcast3A_241 = vector.bitcast %gather3A_235 : vector<16xi32> to vector<16xf32>
        %add3A_242 = arith.addf %scan3A_183, %bitcast3A_241 : vector<16xf32>
        %gather3A_243 = arith.constant 80 : i32
        %gather3A_244 = tpu.memref_slice %arg5[%gather3A_243] : memref<49152xi32, #tpu.memory_space<vmem>> -> memref<49056xi32, #tpu.memory_space<vmem>>
        %gather3A_245 = tpu.vector_load_idx %gather3A_244[%add3A_195] : memref<49056xi32, #tpu.memory_space<vmem>>[vector<16xi32>], vector<16xi32>,
        %shift_left3A_246 = arith.constant 16 : i32
        %shift_left3A_247 = vector.broadcast %shift_left3A_246 : i32 to vector<16xi32>
        %shift_left3A_248 = arith.shli %gather3A_245, %shift_left3A_247 : vector<16xi32>
        %bitcast3A_249 = vector.bitcast %shift_left3A_248 : vector<16xi32> to vector<16xf32>
        %add3A_250 = arith.addf %scan3A_184, %bitcast3A_249 : vector<16xf32>
        %bitcast3A_251 = vector.bitcast %gather3A_245 : vector<16xi32> to vector<16xf32>
        %add3A_252 = arith.addf %scan3A_185, %bitcast3A_251 : vector<16xf32>
        %add3A_253 = arith.constant 1 : i32
        %add3A_254 = arith.addi %mul3A_187, %add3A_253 : i32
        %get3A_255 = arith.index_cast %add3A_254 : i32 to index
        %get3A_256 = arith.index_cast %mul3A_71 : i32 to index
        %get3A_257 = tpu.vector_load %arg7[%get3A_255, %get3A_256] {strides = array<i32>} : memref<200x128xi32, #tpu.memory_space<vmem>>, vector<16xi32>,
        %mul3A_258 = arith.constant 96 : i32
        %mul3A_259 = vector.broadcast %mul3A_258 : i32 to vector<16xi32>
        %mul3A_260 = arith.muli %get3A_257, %mul3A_259 : vector<16xi32>
        %add3A_261 = arith.addi %mul3A_260, %iota3A : vector<16xi32>
        %gather3A_262 = arith.constant 0 : i32
        %gather3A_263 = tpu.memref_slice %arg5[%gather3A_262] : memref<49152xi32, #tpu.memory_space<vmem>> -> memref<49056xi32, #tpu.memory_space<vmem>>
        %gather3A_264 = tpu.vector_load_idx %gather3A_263[%add3A_261] : memref<49056xi32, #tpu.memory_space<vmem>>[vector<16xi32>], vector<16xi32>,
        %shift_left3A_265 = arith.constant 16 : i32
        %shift_left3A_266 = vector.broadcast %shift_left3A_265 : i32 to vector<16xi32>
        %shift_left3A_267 = arith.shli %gather3A_264, %shift_left3A_266 : vector<16xi32>
        %bitcast3A_268 = vector.bitcast %shift_left3A_267 : vector<16xi32> to vector<16xf32>
        %add3A_269 = arith.addf %add3A_200, %bitcast3A_268 : vector<16xf32>
        %bitcast3A_270 = vector.bitcast %gather3A_264 : vector<16xi32> to vector<16xf32>
        %add3A_271 = arith.addf %add3A_202, %bitcast3A_270 : vector<16xf32>
        %gather3A_272 = arith.constant 16 : i32
        %gather3A_273 = tpu.memref_slice %arg5[%gather3A_272] : memref<49152xi32, #tpu.memory_space<vmem>> -> memref<49056xi32, #tpu.memory_space<vmem>>
        %gather3A_274 = tpu.vector_load_idx %gather3A_273[%add3A_261] : memref<49056xi32, #tpu.memory_space<vmem>>[vector<16xi32>], vector<16xi32>,
        %shift_left3A_275 = arith.constant 16 : i32
        %shift_left3A_276 = vector.broadcast %shift_left3A_275 : i32 to vector<16xi32>
        %shift_left3A_277 = arith.shli %gather3A_274, %shift_left3A_276 : vector<16xi32>
        %bitcast3A_278 = vector.bitcast %shift_left3A_277 : vector<16xi32> to vector<16xf32>
        %add3A_279 = arith.addf %add3A_210, %bitcast3A_278 : vector<16xf32>
        %bitcast3A_280 = vector.bitcast %gather3A_274 : vector<16xi32> to vector<16xf32>
        %add3A_281 = arith.addf %add3A_212, %bitcast3A_280 : vector<16xf32>
        %gather3A_282 = arith.constant 32 : i32
        %gather3A_283 = tpu.memref_slice %arg5[%gather3A_282] : memref<49152xi32, #tpu.memory_space<vmem>> -> memref<49056xi32, #tpu.memory_space<vmem>>
        %gather3A_284 = tpu.vector_load_idx %gather3A_283[%add3A_261] : memref<49056xi32, #tpu.memory_space<vmem>>[vector<16xi32>], vector<16xi32>,
        %shift_left3A_285 = arith.constant 16 : i32
        %shift_left3A_286 = vector.broadcast %shift_left3A_285 : i32 to vector<16xi32>
        %shift_left3A_287 = arith.shli %gather3A_284, %shift_left3A_286 : vector<16xi32>
        %bitcast3A_288 = vector.bitcast %shift_left3A_287 : vector<16xi32> to vector<16xf32>
        %add3A_289 = arith.addf %add3A_220, %bitcast3A_288 : vector<16xf32>
        %bitcast3A_290 = vector.bitcast %gather3A_284 : vector<16xi32> to vector<16xf32>
        %add3A_291 = arith.addf %add3A_222, %bitcast3A_290 : vector<16xf32>
        %gather3A_292 = arith.constant 48 : i32
        %gather3A_293 = tpu.memref_slice %arg5[%gather3A_292] : memref<49152xi32, #tpu.memory_space<vmem>> -> memref<49056xi32, #tpu.memory_space<vmem>>
        %gather3A_294 = tpu.vector_load_idx %gather3A_293[%add3A_261] : memref<49056xi32, #tpu.memory_space<vmem>>[vector<16xi32>], vector<16xi32>,
        %shift_left3A_295 = arith.constant 16 : i32
        %shift_left3A_296 = vector.broadcast %shift_left3A_295 : i32 to vector<16xi32>
        %shift_left3A_297 = arith.shli %gather3A_294, %shift_left3A_296 : vector<16xi32>
        %bitcast3A_298 = vector.bitcast %shift_left3A_297 : vector<16xi32> to vector<16xf32>
        %add3A_299 = arith.addf %add3A_230, %bitcast3A_298 : vector<16xf32>
        %bitcast3A_300 = vector.bitcast %gather3A_294 : vector<16xi32> to vector<16xf32>
        %add3A_301 = arith.addf %add3A_232, %bitcast3A_300 : vector<16xf32>
        %gather3A_302 = arith.constant 64 : i32
        %gather3A_303 = tpu.memref_slice %arg5[%gather3A_302] : memref<49152xi32, #tpu.memory_space<vmem>> -> memref<49056xi32, #tpu.memory_space<vmem>>
        %gather3A_304 = tpu.vector_load_idx %gather3A_303[%add3A_261] : memref<49056xi32, #tpu.memory_space<vmem>>[vector<16xi32>], vector<16xi32>,
        %shift_left3A_305 = arith.constant 16 : i32
        %shift_left3A_306 = vector.broadcast %shift_left3A_305 : i32 to vector<16xi32>
        %shift_left3A_307 = arith.shli %gather3A_304, %shift_left3A_306 : vector<16xi32>
        %bitcast3A_308 = vector.bitcast %shift_left3A_307 : vector<16xi32> to vector<16xf32>
        %add3A_309 = arith.addf %add3A_240, %bitcast3A_308 : vector<16xf32>
        %bitcast3A_310 = vector.bitcast %gather3A_304 : vector<16xi32> to vector<16xf32>
        %add3A_311 = arith.addf %add3A_242, %bitcast3A_310 : vector<16xf32>
        %gather3A_312 = arith.constant 80 : i32
        %gather3A_313 = tpu.memref_slice %arg5[%gather3A_312] : memref<49152xi32, #tpu.memory_space<vmem>> -> memref<49056xi32, #tpu.memory_space<vmem>>
        %gather3A_314 = tpu.vector_load_idx %gather3A_313[%add3A_261] : memref<49056xi32, #tpu.memory_space<vmem>>[vector<16xi32>], vector<16xi32>,
        %shift_left3A_315 = arith.constant 16 : i32
        %shift_left3A_316 = vector.broadcast %shift_left3A_315 : i32 to vector<16xi32>
        %shift_left3A_317 = arith.shli %gather3A_314, %shift_left3A_316 : vector<16xi32>
        %bitcast3A_318 = vector.bitcast %shift_left3A_317 : vector<16xi32> to vector<16xf32>
        %add3A_319 = arith.addf %add3A_250, %bitcast3A_318 : vector<16xf32>
        %bitcast3A_320 = vector.bitcast %gather3A_314 : vector<16xi32> to vector<16xf32>
        %add3A_321 = arith.addf %add3A_252, %bitcast3A_320 : vector<16xf32>
        scf.yield %add3A_269, %add3A_271, %add3A_279, %add3A_281, %add3A_289, %add3A_291, %add3A_299, %add3A_301, %add3A_309, %add3A_311, %add3A_319, %add3A_321 : vector<16xf32>, vector<16xf32>, vector<16xf32>, vector<16xf32>, vector<16xf32>, vector<16xf32>, vector<16xf32>, vector<16xf32>, vector<16xf32>, vector<16xf32>, vector<16xf32>, vector<16xf32>
      }
      %scan3A_77 = arith.constant 100 : i32
      %mul3A_78 = vector.broadcast %scan3A_37 : f32 to vector<16xf32>
      %mul3A_79 = arith.mulf %scan3A_76#0, %mul3A_78 : vector<16xf32>
      %add3A_80 = arith.constant 128 : i32
      %add3A_81 = arith.addi %add3A_80, %mul3A_71 : i32
      %swap3A = arith.constant 0 : i32
      %swap3A_82 = arith.index_cast %swap3A : i32 to index
      %swap3A_83 = arith.index_cast %add3A_81 : i32 to index
      %swap3A_84 = tpu.vector_load %arg8[%swap3A_82, %swap3A_83] {strides = array<i32>} : memref<12x512xf32, #tpu.memory_space<vmem>>, vector<16xf32>,
      tpu.vector_store %arg8[%swap3A_82, %swap3A_83], %mul3A_79 {strides = array<i32>} : memref<12x512xf32, #tpu.memory_space<vmem>>, vector<16xf32>,
      %mul3A_85 = vector.broadcast %scan3A_37 : f32 to vector<16xf32>
      %mul3A_86 = arith.mulf %scan3A_76#1, %mul3A_85 : vector<16xf32>
      %add3A_87 = arith.constant 128 : i32
      %add3A_88 = arith.addi %add3A_87, %mul3A_71 : i32
      %swap3A_89 = arith.constant 1 : i32
      %swap3A_90 = arith.index_cast %swap3A_89 : i32 to index
      %swap3A_91 = arith.index_cast %add3A_88 : i32 to index
      %swap3A_92 = tpu.vector_load %arg8[%swap3A_90, %swap3A_91] {strides = array<i32>} : memref<12x512xf32, #tpu.memory_space<vmem>>, vector<16xf32>,
      tpu.vector_store %arg8[%swap3A_90, %swap3A_91], %mul3A_86 {strides = array<i32>} : memref<12x512xf32, #tpu.memory_space<vmem>>, vector<16xf32>,
      %mul3A_93 = vector.broadcast %scan3A_37 : f32 to vector<16xf32>
      %mul3A_94 = arith.mulf %scan3A_76#2, %mul3A_93 : vector<16xf32>
      %add3A_95 = arith.constant 128 : i32
      %add3A_96 = arith.addi %add3A_95, %mul3A_71 : i32
      %swap3A_97 = arith.constant 2 : i32
      %swap3A_98 = arith.index_cast %swap3A_97 : i32 to index
      %swap3A_99 = arith.index_cast %add3A_96 : i32 to index
      %swap3A_100 = tpu.vector_load %arg8[%swap3A_98, %swap3A_99] {strides = array<i32>} : memref<12x512xf32, #tpu.memory_space<vmem>>, vector<16xf32>,
      tpu.vector_store %arg8[%swap3A_98, %swap3A_99], %mul3A_94 {strides = array<i32>} : memref<12x512xf32, #tpu.memory_space<vmem>>, vector<16xf32>,
      %mul3A_101 = vector.broadcast %scan3A_37 : f32 to vector<16xf32>
      %mul3A_102 = arith.mulf %scan3A_76#3, %mul3A_101 : vector<16xf32>
      %add3A_103 = arith.constant 128 : i32
      %add3A_104 = arith.addi %add3A_103, %mul3A_71 : i32
      %swap3A_105 = arith.constant 3 : i32
      %swap3A_106 = arith.index_cast %swap3A_105 : i32 to index
      %swap3A_107 = arith.index_cast %add3A_104 : i32 to index
      %swap3A_108 = tpu.vector_load %arg8[%swap3A_106, %swap3A_107] {strides = array<i32>} : memref<12x512xf32, #tpu.memory_space<vmem>>, vector<16xf32>,
      tpu.vector_store %arg8[%swap3A_106, %swap3A_107], %mul3A_102 {strides = array<i32>} : memref<12x512xf32, #tpu.memory_space<vmem>>, vector<16xf32>,
      %mul3A_109 = vector.broadcast %scan3A_37 : f32 to vector<16xf32>
      %mul3A_110 = arith.mulf %scan3A_76#4, %mul3A_109 : vector<16xf32>
      %add3A_111 = arith.constant 128 : i32
      %add3A_112 = arith.addi %add3A_111, %mul3A_71 : i32
      %swap3A_113 = arith.constant 4 : i32
      %swap3A_114 = arith.index_cast %swap3A_113 : i32 to index
      %swap3A_115 = arith.index_cast %add3A_112 : i32 to index
      %swap3A_116 = tpu.vector_load %arg8[%swap3A_114, %swap3A_115] {strides = array<i32>} : memref<12x512xf32, #tpu.memory_space<vmem>>, vector<16xf32>,
      tpu.vector_store %arg8[%swap3A_114, %swap3A_115], %mul3A_110 {strides = array<i32>} : memref<12x512xf32, #tpu.memory_space<vmem>>, vector<16xf32>,
      %mul3A_117 = vector.broadcast %scan3A_37 : f32 to vector<16xf32>
      %mul3A_118 = arith.mulf %scan3A_76#5, %mul3A_117 : vector<16xf32>
      %add3A_119 = arith.constant 128 : i32
      %add3A_120 = arith.addi %add3A_119, %mul3A_71 : i32
      %swap3A_121 = arith.constant 5 : i32
      %swap3A_122 = arith.index_cast %swap3A_121 : i32 to index
      %swap3A_123 = arith.index_cast %add3A_120 : i32 to index
      %swap3A_124 = tpu.vector_load %arg8[%swap3A_122, %swap3A_123] {strides = array<i32>} : memref<12x512xf32, #tpu.memory_space<vmem>>, vector<16xf32>,
      tpu.vector_store %arg8[%swap3A_122, %swap3A_123], %mul3A_118 {strides = array<i32>} : memref<12x512xf32, #tpu.memory_space<vmem>>, vector<16xf32>,
      %mul3A_125 = vector.broadcast %scan3A_37 : f32 to vector<16xf32>
      %mul3A_126 = arith.mulf %scan3A_76#6, %mul3A_125 : vector<16xf32>
      %add3A_127 = arith.constant 128 : i32
      %add3A_128 = arith.addi %add3A_127, %mul3A_71 : i32
      %swap3A_129 = arith.constant 6 : i32
      %swap3A_130 = arith.index_cast %swap3A_129 : i32 to index
      %swap3A_131 = arith.index_cast %add3A_128 : i32 to index
      %swap3A_132 = tpu.vector_load %arg8[%swap3A_130, %swap3A_131] {strides = array<i32>} : memref<12x512xf32, #tpu.memory_space<vmem>>, vector<16xf32>,
      tpu.vector_store %arg8[%swap3A_130, %swap3A_131], %mul3A_126 {strides = array<i32>} : memref<12x512xf32, #tpu.memory_space<vmem>>, vector<16xf32>,
      %mul3A_133 = vector.broadcast %scan3A_37 : f32 to vector<16xf32>
      %mul3A_134 = arith.mulf %scan3A_76#7, %mul3A_133 : vector<16xf32>
      %add3A_135 = arith.constant 128 : i32
      %add3A_136 = arith.addi %add3A_135, %mul3A_71 : i32
      %swap3A_137 = arith.constant 7 : i32
      %swap3A_138 = arith.index_cast %swap3A_137 : i32 to index
      %swap3A_139 = arith.index_cast %add3A_136 : i32 to index
      %swap3A_140 = tpu.vector_load %arg8[%swap3A_138, %swap3A_139] {strides = array<i32>} : memref<12x512xf32, #tpu.memory_space<vmem>>, vector<16xf32>,
      tpu.vector_store %arg8[%swap3A_138, %swap3A_139], %mul3A_134 {strides = array<i32>} : memref<12x512xf32, #tpu.memory_space<vmem>>, vector<16xf32>,
      %mul3A_141 = vector.broadcast %scan3A_37 : f32 to vector<16xf32>
      %mul3A_142 = arith.mulf %scan3A_76#8, %mul3A_141 : vector<16xf32>
      %add3A_143 = arith.constant 128 : i32
      %add3A_144 = arith.addi %add3A_143, %mul3A_71 : i32
      %swap3A_145 = arith.constant 8 : i32
      %swap3A_146 = arith.index_cast %swap3A_145 : i32 to index
      %swap3A_147 = arith.index_cast %add3A_144 : i32 to index
      %swap3A_148 = tpu.vector_load %arg8[%swap3A_146, %swap3A_147] {strides = array<i32>} : memref<12x512xf32, #tpu.memory_space<vmem>>, vector<16xf32>,
      tpu.vector_store %arg8[%swap3A_146, %swap3A_147], %mul3A_142 {strides = array<i32>} : memref<12x512xf32, #tpu.memory_space<vmem>>, vector<16xf32>,
      %mul3A_149 = vector.broadcast %scan3A_37 : f32 to vector<16xf32>
      %mul3A_150 = arith.mulf %scan3A_76#9, %mul3A_149 : vector<16xf32>
      %add3A_151 = arith.constant 128 : i32
      %add3A_152 = arith.addi %add3A_151, %mul3A_71 : i32
      %swap3A_153 = arith.constant 9 : i32
      %swap3A_154 = arith.index_cast %swap3A_153 : i32 to index
      %swap3A_155 = arith.index_cast %add3A_152 : i32 to index
      %swap3A_156 = tpu.vector_load %arg8[%swap3A_154, %swap3A_155] {strides = array<i32>} : memref<12x512xf32, #tpu.memory_space<vmem>>, vector<16xf32>,
      tpu.vector_store %arg8[%swap3A_154, %swap3A_155], %mul3A_150 {strides = array<i32>} : memref<12x512xf32, #tpu.memory_space<vmem>>, vector<16xf32>,
      %mul3A_157 = vector.broadcast %scan3A_37 : f32 to vector<16xf32>
      %mul3A_158 = arith.mulf %scan3A_76#10, %mul3A_157 : vector<16xf32>
      %add3A_159 = arith.constant 128 : i32
      %add3A_160 = arith.addi %add3A_159, %mul3A_71 : i32
      %swap3A_161 = arith.constant 10 : i32
      %swap3A_162 = arith.index_cast %swap3A_161 : i32 to index
      %swap3A_163 = arith.index_cast %add3A_160 : i32 to index
      %swap3A_164 = tpu.vector_load %arg8[%swap3A_162, %swap3A_163] {strides = array<i32>} : memref<12x512xf32, #tpu.memory_space<vmem>>, vector<16xf32>,
      tpu.vector_store %arg8[%swap3A_162, %swap3A_163], %mul3A_158 {strides = array<i32>} : memref<12x512xf32, #tpu.memory_space<vmem>>, vector<16xf32>,
      %mul3A_165 = vector.broadcast %scan3A_37 : f32 to vector<16xf32>
      %mul3A_166 = arith.mulf %scan3A_76#11, %mul3A_165 : vector<16xf32>
      %add3A_167 = arith.constant 128 : i32
      %add3A_168 = arith.addi %add3A_167, %mul3A_71 : i32
      %swap3A_169 = arith.constant 11 : i32
      %swap3A_170 = arith.index_cast %swap3A_169 : i32 to index
      %swap3A_171 = arith.index_cast %add3A_168 : i32 to index
      %swap3A_172 = tpu.vector_load %arg8[%swap3A_170, %swap3A_171] {strides = array<i32>} : memref<12x512xf32, #tpu.memory_space<vmem>>, vector<16xf32>,
      tpu.vector_store %arg8[%swap3A_170, %swap3A_171], %mul3A_166 {strides = array<i32>} : memref<12x512xf32, #tpu.memory_space<vmem>>, vector<16xf32>,
    }
    %scan3A_42 = arith.constant 8 : i32
    %dma_start3A_43 = arith.constant 0 : i32
    %dma_start3A_44 = tpu.memref_slice %arg2[%dma_start3A_43, %add3A_10] : memref<200x16384xi32, #tpu.memory_space<hbm>> -> memref<200x128xi32, #tpu.memory_space<hbm>>
    %dma_start3A_45 = arith.constant 0 : i32
    %dma_start3A_46 = tpu.memref_slice %arg2[%dma_start3A_45, %add3A_10] : memref<200x16384xi32, #tpu.memory_space<hbm>> -> memref<200x128xi32, #tpu.memory_space<hbm>>
    tpu.enqueue_dma source(%dma_start3A_46 : memref<200x128xi32, #tpu.memory_space<hbm>>) target(%arg7 : memref<200x128xi32, #tpu.memory_space<vmem>>) target_semaphore(%arg12 : memref<!tpu.dma_semaphore, #tpu.memory_space<semaphore_mem>>)
    %dma_wait3A_47 = arith.constant 0 : i32
    %dma_wait3A_48 = tpu.memref_slice %arg2[%dma_wait3A_47, %add3A_8] : memref<200x16384xi32, #tpu.memory_space<hbm>> -> memref<200x128xi32, #tpu.memory_space<hbm>>
    %dma_wait3A_49 = arith.constant 0 : i32
    %dma_wait3A_50 = tpu.memref_slice %arg2[%dma_wait3A_49, %add3A_8] : memref<200x16384xi32, #tpu.memory_space<hbm>> -> memref<200x128xi32, #tpu.memory_space<hbm>>
    tpu.wait_dma2 semaphore(%arg11 : memref<!tpu.dma_semaphore, #tpu.memory_space<semaphore_mem>>) src(%dma_wait3A_50 : memref<200x128xi32, #tpu.memory_space<hbm>>) dst(%arg6 : memref<200x128xi32, #tpu.memory_space<vmem>>)
    %scan3A_51 = arith.constant 0 : i32
    %scan3A_52 = arith.constant 5.000000e-03 : f32
    %scan3A_53 = arith.constant 0 : i32
    %scan3A_54 = arith.constant 8 : i32
    %scan3A_55 = arith.addi %scan3A_53, %scan3A_54 : i32
    %scan3A_56 = arith.constant 1 : i32
    scf.for %scan3A_69 = %scan3A_53 to %scan3A_55 step %scan3A_56  : i32 {
      %mul3A_70 = arith.constant 16 : i32
      %mul3A_71 = arith.muli %scan3A_69, %mul3A_70 : i32
      %scan3A_72 = arith.constant 0 : i32
      %scan3A_73 = arith.constant 100 : i32
      %scan3A_74 = arith.addi %scan3A_72, %scan3A_73 : i32
      %scan3A_75 = arith.constant 1 : i32
      %scan3A_76:12 = scf.for %scan3A_173 = %scan3A_72 to %scan3A_74 step %scan3A_75 iter_args(%scan3A_174 = %broadcast_in_dim3A_18, %scan3A_175 = %broadcast_in_dim3A_18, %scan3A_176 = %broadcast_in_dim3A_18, %scan3A_177 = %broadcast_in_dim3A_18, %scan3A_178 = %broadcast_in_dim3A_18, %scan3A_179 = %broadcast_in_dim3A_18, %scan3A_180 = %broadcast_in_dim3A_18, %scan3A_181 = %broadcast_in_dim3A_18, %scan3A_182 = %broadcast_in_dim3A_18, %scan3A_183 = %broadcast_in_dim3A_18, %scan3A_184 = %broadcast_in_dim3A_18, %scan3A_185 = %broadcast_in_dim3A_18) -> (vector<16xf32>, vector<16xf32>, vector<16xf32>, vector<16xf32>, vector<16xf32>, vector<16xf32>, vector<16xf32>, vector<16xf32>, vector<16xf32>, vector<16xf32>, vector<16xf32>, vector<16xf32>)  : i32 {
        %mul3A_186 = arith.constant 2 : i32
        %mul3A_187 = arith.muli %scan3A_173, %mul3A_186 : i32
        %add3A_188 = arith.constant 0 : i32
        %add3A_189 = arith.addi %mul3A_187, %add3A_188 : i32
        %get3A = arith.index_cast %add3A_189 : i32 to index
        %get3A_190 = arith.index_cast %mul3A_71 : i32 to index
        %get3A_191 = tpu.vector_load %arg6[%get3A, %get3A_190] {strides = array<i32>} : memref<200x128xi32, #tpu.memory_space<vmem>>, vector<16xi32>,
        %mul3A_192 = arith.constant 96 : i32
        %mul3A_193 = vector.broadcast %mul3A_192 : i32 to vector<16xi32>
        %mul3A_194 = arith.muli %get3A_191, %mul3A_193 : vector<16xi32>
        %add3A_195 = arith.addi %mul3A_194, %iota3A : vector<16xi32>
        %gather3A = arith.constant 0 : i32
        %gather3A_196 = tpu.memref_slice %arg5[%gather3A] : memref<49152xi32, #tpu.memory_space<vmem>> -> memref<49056xi32, #tpu.memory_space<vmem>>
        %gather3A_197 = tpu.vector_load_idx %gather3A_196[%add3A_195] : memref<49056xi32, #tpu.memory_space<vmem>>[vector<16xi32>], vector<16xi32>,
        %shift_left3A = arith.constant 16 : i32
        %shift_left3A_198 = vector.broadcast %shift_left3A : i32 to vector<16xi32>
        %shift_left3A_199 = arith.shli %gather3A_197, %shift_left3A_198 : vector<16xi32>
        %bitcast3A = vector.bitcast %shift_left3A_199 : vector<16xi32> to vector<16xf32>
        %add3A_200 = arith.addf %scan3A_174, %bitcast3A : vector<16xf32>
        %bitcast3A_201 = vector.bitcast %gather3A_197 : vector<16xi32> to vector<16xf32>
        %add3A_202 = arith.addf %scan3A_175, %bitcast3A_201 : vector<16xf32>
        %gather3A_203 = arith.constant 16 : i32
        %gather3A_204 = tpu.memref_slice %arg5[%gather3A_203] : memref<49152xi32, #tpu.memory_space<vmem>> -> memref<49056xi32, #tpu.memory_space<vmem>>
        %gather3A_205 = tpu.vector_load_idx %gather3A_204[%add3A_195] : memref<49056xi32, #tpu.memory_space<vmem>>[vector<16xi32>], vector<16xi32>,
        %shift_left3A_206 = arith.constant 16 : i32
        %shift_left3A_207 = vector.broadcast %shift_left3A_206 : i32 to vector<16xi32>
        %shift_left3A_208 = arith.shli %gather3A_205, %shift_left3A_207 : vector<16xi32>
        %bitcast3A_209 = vector.bitcast %shift_left3A_208 : vector<16xi32> to vector<16xf32>
        %add3A_210 = arith.addf %scan3A_176, %bitcast3A_209 : vector<16xf32>
        %bitcast3A_211 = vector.bitcast %gather3A_205 : vector<16xi32> to vector<16xf32>
        %add3A_212 = arith.addf %scan3A_177, %bitcast3A_211 : vector<16xf32>
        %gather3A_213 = arith.constant 32 : i32
        %gather3A_214 = tpu.memref_slice %arg5[%gather3A_213] : memref<49152xi32, #tpu.memory_space<vmem>> -> memref<49056xi32, #tpu.memory_space<vmem>>
        %gather3A_215 = tpu.vector_load_idx %gather3A_214[%add3A_195] : memref<49056xi32, #tpu.memory_space<vmem>>[vector<16xi32>], vector<16xi32>,
        %shift_left3A_216 = arith.constant 16 : i32
        %shift_left3A_217 = vector.broadcast %shift_left3A_216 : i32 to vector<16xi32>
        %shift_left3A_218 = arith.shli %gather3A_215, %shift_left3A_217 : vector<16xi32>
        %bitcast3A_219 = vector.bitcast %shift_left3A_218 : vector<16xi32> to vector<16xf32>
        %add3A_220 = arith.addf %scan3A_178, %bitcast3A_219 : vector<16xf32>
        %bitcast3A_221 = vector.bitcast %gather3A_215 : vector<16xi32> to vector<16xf32>
        %add3A_222 = arith.addf %scan3A_179, %bitcast3A_221 : vector<16xf32>
        %gather3A_223 = arith.constant 48 : i32
        %gather3A_224 = tpu.memref_slice %arg5[%gather3A_223] : memref<49152xi32, #tpu.memory_space<vmem>> -> memref<49056xi32, #tpu.memory_space<vmem>>
        %gather3A_225 = tpu.vector_load_idx %gather3A_224[%add3A_195] : memref<49056xi32, #tpu.memory_space<vmem>>[vector<16xi32>], vector<16xi32>,
        %shift_left3A_226 = arith.constant 16 : i32
        %shift_left3A_227 = vector.broadcast %shift_left3A_226 : i32 to vector<16xi32>
        %shift_left3A_228 = arith.shli %gather3A_225, %shift_left3A_227 : vector<16xi32>
        %bitcast3A_229 = vector.bitcast %shift_left3A_228 : vector<16xi32> to vector<16xf32>
        %add3A_230 = arith.addf %scan3A_180, %bitcast3A_229 : vector<16xf32>
        %bitcast3A_231 = vector.bitcast %gather3A_225 : vector<16xi32> to vector<16xf32>
        %add3A_232 = arith.addf %scan3A_181, %bitcast3A_231 : vector<16xf32>
        %gather3A_233 = arith.constant 64 : i32
        %gather3A_234 = tpu.memref_slice %arg5[%gather3A_233] : memref<49152xi32, #tpu.memory_space<vmem>> -> memref<49056xi32, #tpu.memory_space<vmem>>
        %gather3A_235 = tpu.vector_load_idx %gather3A_234[%add3A_195] : memref<49056xi32, #tpu.memory_space<vmem>>[vector<16xi32>], vector<16xi32>,
        %shift_left3A_236 = arith.constant 16 : i32
        %shift_left3A_237 = vector.broadcast %shift_left3A_236 : i32 to vector<16xi32>
        %shift_left3A_238 = arith.shli %gather3A_235, %shift_left3A_237 : vector<16xi32>
        %bitcast3A_239 = vector.bitcast %shift_left3A_238 : vector<16xi32> to vector<16xf32>
        %add3A_240 = arith.addf %scan3A_182, %bitcast3A_239 : vector<16xf32>
        %bitcast3A_241 = vector.bitcast %gather3A_235 : vector<16xi32> to vector<16xf32>
        %add3A_242 = arith.addf %scan3A_183, %bitcast3A_241 : vector<16xf32>
        %gather3A_243 = arith.constant 80 : i32
        %gather3A_244 = tpu.memref_slice %arg5[%gather3A_243] : memref<49152xi32, #tpu.memory_space<vmem>> -> memref<49056xi32, #tpu.memory_space<vmem>>
        %gather3A_245 = tpu.vector_load_idx %gather3A_244[%add3A_195] : memref<49056xi32, #tpu.memory_space<vmem>>[vector<16xi32>], vector<16xi32>,
        %shift_left3A_246 = arith.constant 16 : i32
        %shift_left3A_247 = vector.broadcast %shift_left3A_246 : i32 to vector<16xi32>
        %shift_left3A_248 = arith.shli %gather3A_245, %shift_left3A_247 : vector<16xi32>
        %bitcast3A_249 = vector.bitcast %shift_left3A_248 : vector<16xi32> to vector<16xf32>
        %add3A_250 = arith.addf %scan3A_184, %bitcast3A_249 : vector<16xf32>
        %bitcast3A_251 = vector.bitcast %gather3A_245 : vector<16xi32> to vector<16xf32>
        %add3A_252 = arith.addf %scan3A_185, %bitcast3A_251 : vector<16xf32>
        %add3A_253 = arith.constant 1 : i32
        %add3A_254 = arith.addi %mul3A_187, %add3A_253 : i32
        %get3A_255 = arith.index_cast %add3A_254 : i32 to index
        %get3A_256 = arith.index_cast %mul3A_71 : i32 to index
        %get3A_257 = tpu.vector_load %arg6[%get3A_255, %get3A_256] {strides = array<i32>} : memref<200x128xi32, #tpu.memory_space<vmem>>, vector<16xi32>,
        %mul3A_258 = arith.constant 96 : i32
        %mul3A_259 = vector.broadcast %mul3A_258 : i32 to vector<16xi32>
        %mul3A_260 = arith.muli %get3A_257, %mul3A_259 : vector<16xi32>
        %add3A_261 = arith.addi %mul3A_260, %iota3A : vector<16xi32>
        %gather3A_262 = arith.constant 0 : i32
        %gather3A_263 = tpu.memref_slice %arg5[%gather3A_262] : memref<49152xi32, #tpu.memory_space<vmem>> -> memref<49056xi32, #tpu.memory_space<vmem>>
        %gather3A_264 = tpu.vector_load_idx %gather3A_263[%add3A_261] : memref<49056xi32, #tpu.memory_space<vmem>>[vector<16xi32>], vector<16xi32>,
        %shift_left3A_265 = arith.constant 16 : i32
        %shift_left3A_266 = vector.broadcast %shift_left3A_265 : i32 to vector<16xi32>
        %shift_left3A_267 = arith.shli %gather3A_264, %shift_left3A_266 : vector<16xi32>
        %bitcast3A_268 = vector.bitcast %shift_left3A_267 : vector<16xi32> to vector<16xf32>
        %add3A_269 = arith.addf %add3A_200, %bitcast3A_268 : vector<16xf32>
        %bitcast3A_270 = vector.bitcast %gather3A_264 : vector<16xi32> to vector<16xf32>
        %add3A_271 = arith.addf %add3A_202, %bitcast3A_270 : vector<16xf32>
        %gather3A_272 = arith.constant 16 : i32
        %gather3A_273 = tpu.memref_slice %arg5[%gather3A_272] : memref<49152xi32, #tpu.memory_space<vmem>> -> memref<49056xi32, #tpu.memory_space<vmem>>
        %gather3A_274 = tpu.vector_load_idx %gather3A_273[%add3A_261] : memref<49056xi32, #tpu.memory_space<vmem>>[vector<16xi32>], vector<16xi32>,
        %shift_left3A_275 = arith.constant 16 : i32
        %shift_left3A_276 = vector.broadcast %shift_left3A_275 : i32 to vector<16xi32>
        %shift_left3A_277 = arith.shli %gather3A_274, %shift_left3A_276 : vector<16xi32>
        %bitcast3A_278 = vector.bitcast %shift_left3A_277 : vector<16xi32> to vector<16xf32>
        %add3A_279 = arith.addf %add3A_210, %bitcast3A_278 : vector<16xf32>
        %bitcast3A_280 = vector.bitcast %gather3A_274 : vector<16xi32> to vector<16xf32>
        %add3A_281 = arith.addf %add3A_212, %bitcast3A_280 : vector<16xf32>
        %gather3A_282 = arith.constant 32 : i32
        %gather3A_283 = tpu.memref_slice %arg5[%gather3A_282] : memref<49152xi32, #tpu.memory_space<vmem>> -> memref<49056xi32, #tpu.memory_space<vmem>>
        %gather3A_284 = tpu.vector_load_idx %gather3A_283[%add3A_261] : memref<49056xi32, #tpu.memory_space<vmem>>[vector<16xi32>], vector<16xi32>,
        %shift_left3A_285 = arith.constant 16 : i32
        %shift_left3A_286 = vector.broadcast %shift_left3A_285 : i32 to vector<16xi32>
        %shift_left3A_287 = arith.shli %gather3A_284, %shift_left3A_286 : vector<16xi32>
        %bitcast3A_288 = vector.bitcast %shift_left3A_287 : vector<16xi32> to vector<16xf32>
        %add3A_289 = arith.addf %add3A_220, %bitcast3A_288 : vector<16xf32>
        %bitcast3A_290 = vector.bitcast %gather3A_284 : vector<16xi32> to vector<16xf32>
        %add3A_291 = arith.addf %add3A_222, %bitcast3A_290 : vector<16xf32>
        %gather3A_292 = arith.constant 48 : i32
        %gather3A_293 = tpu.memref_slice %arg5[%gather3A_292] : memref<49152xi32, #tpu.memory_space<vmem>> -> memref<49056xi32, #tpu.memory_space<vmem>>
        %gather3A_294 = tpu.vector_load_idx %gather3A_293[%add3A_261] : memref<49056xi32, #tpu.memory_space<vmem>>[vector<16xi32>], vector<16xi32>,
        %shift_left3A_295 = arith.constant 16 : i32
        %shift_left3A_296 = vector.broadcast %shift_left3A_295 : i32 to vector<16xi32>
        %shift_left3A_297 = arith.shli %gather3A_294, %shift_left3A_296 : vector<16xi32>
        %bitcast3A_298 = vector.bitcast %shift_left3A_297 : vector<16xi32> to vector<16xf32>
        %add3A_299 = arith.addf %add3A_230, %bitcast3A_298 : vector<16xf32>
        %bitcast3A_300 = vector.bitcast %gather3A_294 : vector<16xi32> to vector<16xf32>
        %add3A_301 = arith.addf %add3A_232, %bitcast3A_300 : vector<16xf32>
        %gather3A_302 = arith.constant 64 : i32
        %gather3A_303 = tpu.memref_slice %arg5[%gather3A_302] : memref<49152xi32, #tpu.memory_space<vmem>> -> memref<49056xi32, #tpu.memory_space<vmem>>
        %gather3A_304 = tpu.vector_load_idx %gather3A_303[%add3A_261] : memref<49056xi32, #tpu.memory_space<vmem>>[vector<16xi32>], vector<16xi32>,
        %shift_left3A_305 = arith.constant 16 : i32
        %shift_left3A_306 = vector.broadcast %shift_left3A_305 : i32 to vector<16xi32>
        %shift_left3A_307 = arith.shli %gather3A_304, %shift_left3A_306 : vector<16xi32>
        %bitcast3A_308 = vector.bitcast %shift_left3A_307 : vector<16xi32> to vector<16xf32>
        %add3A_309 = arith.addf %add3A_240, %bitcast3A_308 : vector<16xf32>
        %bitcast3A_310 = vector.bitcast %gather3A_304 : vector<16xi32> to vector<16xf32>
        %add3A_311 = arith.addf %add3A_242, %bitcast3A_310 : vector<16xf32>
        %gather3A_312 = arith.constant 80 : i32
        %gather3A_313 = tpu.memref_slice %arg5[%gather3A_312] : memref<49152xi32, #tpu.memory_space<vmem>> -> memref<49056xi32, #tpu.memory_space<vmem>>
        %gather3A_314 = tpu.vector_load_idx %gather3A_313[%add3A_261] : memref<49056xi32, #tpu.memory_space<vmem>>[vector<16xi32>], vector<16xi32>,
        %shift_left3A_315 = arith.constant 16 : i32
        %shift_left3A_316 = vector.broadcast %shift_left3A_315 : i32 to vector<16xi32>
        %shift_left3A_317 = arith.shli %gather3A_314, %shift_left3A_316 : vector<16xi32>
        %bitcast3A_318 = vector.bitcast %shift_left3A_317 : vector<16xi32> to vector<16xf32>
        %add3A_319 = arith.addf %add3A_250, %bitcast3A_318 : vector<16xf32>
        %bitcast3A_320 = vector.bitcast %gather3A_314 : vector<16xi32> to vector<16xf32>
        %add3A_321 = arith.addf %add3A_252, %bitcast3A_320 : vector<16xf32>
        scf.yield %add3A_269, %add3A_271, %add3A_279, %add3A_281, %add3A_289, %add3A_291, %add3A_299, %add3A_301, %add3A_309, %add3A_311, %add3A_319, %add3A_321 : vector<16xf32>, vector<16xf32>, vector<16xf32>, vector<16xf32>, vector<16xf32>, vector<16xf32>, vector<16xf32>, vector<16xf32>, vector<16xf32>, vector<16xf32>, vector<16xf32>, vector<16xf32>
      }
      %scan3A_77 = arith.constant 100 : i32
      %mul3A_78 = vector.broadcast %scan3A_52 : f32 to vector<16xf32>
      %mul3A_79 = arith.mulf %scan3A_76#0, %mul3A_78 : vector<16xf32>
      %add3A_80 = arith.constant 256 : i32
      %add3A_81 = arith.addi %add3A_80, %mul3A_71 : i32
      %swap3A = arith.constant 0 : i32
      %swap3A_82 = arith.index_cast %swap3A : i32 to index
      %swap3A_83 = arith.index_cast %add3A_81 : i32 to index
      %swap3A_84 = tpu.vector_load %arg8[%swap3A_82, %swap3A_83] {strides = array<i32>} : memref<12x512xf32, #tpu.memory_space<vmem>>, vector<16xf32>,
      tpu.vector_store %arg8[%swap3A_82, %swap3A_83], %mul3A_79 {strides = array<i32>} : memref<12x512xf32, #tpu.memory_space<vmem>>, vector<16xf32>,
      %mul3A_85 = vector.broadcast %scan3A_52 : f32 to vector<16xf32>
      %mul3A_86 = arith.mulf %scan3A_76#1, %mul3A_85 : vector<16xf32>
      %add3A_87 = arith.constant 256 : i32
      %add3A_88 = arith.addi %add3A_87, %mul3A_71 : i32
      %swap3A_89 = arith.constant 1 : i32
      %swap3A_90 = arith.index_cast %swap3A_89 : i32 to index
      %swap3A_91 = arith.index_cast %add3A_88 : i32 to index
      %swap3A_92 = tpu.vector_load %arg8[%swap3A_90, %swap3A_91] {strides = array<i32>} : memref<12x512xf32, #tpu.memory_space<vmem>>, vector<16xf32>,
      tpu.vector_store %arg8[%swap3A_90, %swap3A_91], %mul3A_86 {strides = array<i32>} : memref<12x512xf32, #tpu.memory_space<vmem>>, vector<16xf32>,
      %mul3A_93 = vector.broadcast %scan3A_52 : f32 to vector<16xf32>
      %mul3A_94 = arith.mulf %scan3A_76#2, %mul3A_93 : vector<16xf32>
      %add3A_95 = arith.constant 256 : i32
      %add3A_96 = arith.addi %add3A_95, %mul3A_71 : i32
      %swap3A_97 = arith.constant 2 : i32
      %swap3A_98 = arith.index_cast %swap3A_97 : i32 to index
      %swap3A_99 = arith.index_cast %add3A_96 : i32 to index
      %swap3A_100 = tpu.vector_load %arg8[%swap3A_98, %swap3A_99] {strides = array<i32>} : memref<12x512xf32, #tpu.memory_space<vmem>>, vector<16xf32>,
      tpu.vector_store %arg8[%swap3A_98, %swap3A_99], %mul3A_94 {strides = array<i32>} : memref<12x512xf32, #tpu.memory_space<vmem>>, vector<16xf32>,
      %mul3A_101 = vector.broadcast %scan3A_52 : f32 to vector<16xf32>
      %mul3A_102 = arith.mulf %scan3A_76#3, %mul3A_101 : vector<16xf32>
      %add3A_103 = arith.constant 256 : i32
      %add3A_104 = arith.addi %add3A_103, %mul3A_71 : i32
      %swap3A_105 = arith.constant 3 : i32
      %swap3A_106 = arith.index_cast %swap3A_105 : i32 to index
      %swap3A_107 = arith.index_cast %add3A_104 : i32 to index
      %swap3A_108 = tpu.vector_load %arg8[%swap3A_106, %swap3A_107] {strides = array<i32>} : memref<12x512xf32, #tpu.memory_space<vmem>>, vector<16xf32>,
      tpu.vector_store %arg8[%swap3A_106, %swap3A_107], %mul3A_102 {strides = array<i32>} : memref<12x512xf32, #tpu.memory_space<vmem>>, vector<16xf32>,
      %mul3A_109 = vector.broadcast %scan3A_52 : f32 to vector<16xf32>
      %mul3A_110 = arith.mulf %scan3A_76#4, %mul3A_109 : vector<16xf32>
      %add3A_111 = arith.constant 256 : i32
      %add3A_112 = arith.addi %add3A_111, %mul3A_71 : i32
      %swap3A_113 = arith.constant 4 : i32
      %swap3A_114 = arith.index_cast %swap3A_113 : i32 to index
      %swap3A_115 = arith.index_cast %add3A_112 : i32 to index
      %swap3A_116 = tpu.vector_load %arg8[%swap3A_114, %swap3A_115] {strides = array<i32>} : memref<12x512xf32, #tpu.memory_space<vmem>>, vector<16xf32>,
      tpu.vector_store %arg8[%swap3A_114, %swap3A_115], %mul3A_110 {strides = array<i32>} : memref<12x512xf32, #tpu.memory_space<vmem>>, vector<16xf32>,
      %mul3A_117 = vector.broadcast %scan3A_52 : f32 to vector<16xf32>
      %mul3A_118 = arith.mulf %scan3A_76#5, %mul3A_117 : vector<16xf32>
      %add3A_119 = arith.constant 256 : i32
      %add3A_120 = arith.addi %add3A_119, %mul3A_71 : i32
      %swap3A_121 = arith.constant 5 : i32
      %swap3A_122 = arith.index_cast %swap3A_121 : i32 to index
      %swap3A_123 = arith.index_cast %add3A_120 : i32 to index
      %swap3A_124 = tpu.vector_load %arg8[%swap3A_122, %swap3A_123] {strides = array<i32>} : memref<12x512xf32, #tpu.memory_space<vmem>>, vector<16xf32>,
      tpu.vector_store %arg8[%swap3A_122, %swap3A_123], %mul3A_118 {strides = array<i32>} : memref<12x512xf32, #tpu.memory_space<vmem>>, vector<16xf32>,
      %mul3A_125 = vector.broadcast %scan3A_52 : f32 to vector<16xf32>
      %mul3A_126 = arith.mulf %scan3A_76#6, %mul3A_125 : vector<16xf32>
      %add3A_127 = arith.constant 256 : i32
      %add3A_128 = arith.addi %add3A_127, %mul3A_71 : i32
      %swap3A_129 = arith.constant 6 : i32
      %swap3A_130 = arith.index_cast %swap3A_129 : i32 to index
      %swap3A_131 = arith.index_cast %add3A_128 : i32 to index
      %swap3A_132 = tpu.vector_load %arg8[%swap3A_130, %swap3A_131] {strides = array<i32>} : memref<12x512xf32, #tpu.memory_space<vmem>>, vector<16xf32>,
      tpu.vector_store %arg8[%swap3A_130, %swap3A_131], %mul3A_126 {strides = array<i32>} : memref<12x512xf32, #tpu.memory_space<vmem>>, vector<16xf32>,
      %mul3A_133 = vector.broadcast %scan3A_52 : f32 to vector<16xf32>
      %mul3A_134 = arith.mulf %scan3A_76#7, %mul3A_133 : vector<16xf32>
      %add3A_135 = arith.constant 256 : i32
      %add3A_136 = arith.addi %add3A_135, %mul3A_71 : i32
      %swap3A_137 = arith.constant 7 : i32
      %swap3A_138 = arith.index_cast %swap3A_137 : i32 to index
      %swap3A_139 = arith.index_cast %add3A_136 : i32 to index
      %swap3A_140 = tpu.vector_load %arg8[%swap3A_138, %swap3A_139] {strides = array<i32>} : memref<12x512xf32, #tpu.memory_space<vmem>>, vector<16xf32>,
      tpu.vector_store %arg8[%swap3A_138, %swap3A_139], %mul3A_134 {strides = array<i32>} : memref<12x512xf32, #tpu.memory_space<vmem>>, vector<16xf32>,
      %mul3A_141 = vector.broadcast %scan3A_52 : f32 to vector<16xf32>
      %mul3A_142 = arith.mulf %scan3A_76#8, %mul3A_141 : vector<16xf32>
      %add3A_143 = arith.constant 256 : i32
      %add3A_144 = arith.addi %add3A_143, %mul3A_71 : i32
      %swap3A_145 = arith.constant 8 : i32
      %swap3A_146 = arith.index_cast %swap3A_145 : i32 to index
      %swap3A_147 = arith.index_cast %add3A_144 : i32 to index
      %swap3A_148 = tpu.vector_load %arg8[%swap3A_146, %swap3A_147] {strides = array<i32>} : memref<12x512xf32, #tpu.memory_space<vmem>>, vector<16xf32>,
      tpu.vector_store %arg8[%swap3A_146, %swap3A_147], %mul3A_142 {strides = array<i32>} : memref<12x512xf32, #tpu.memory_space<vmem>>, vector<16xf32>,
      %mul3A_149 = vector.broadcast %scan3A_52 : f32 to vector<16xf32>
      %mul3A_150 = arith.mulf %scan3A_76#9, %mul3A_149 : vector<16xf32>
      %add3A_151 = arith.constant 256 : i32
      %add3A_152 = arith.addi %add3A_151, %mul3A_71 : i32
      %swap3A_153 = arith.constant 9 : i32
      %swap3A_154 = arith.index_cast %swap3A_153 : i32 to index
      %swap3A_155 = arith.index_cast %add3A_152 : i32 to index
      %swap3A_156 = tpu.vector_load %arg8[%swap3A_154, %swap3A_155] {strides = array<i32>} : memref<12x512xf32, #tpu.memory_space<vmem>>, vector<16xf32>,
      tpu.vector_store %arg8[%swap3A_154, %swap3A_155], %mul3A_150 {strides = array<i32>} : memref<12x512xf32, #tpu.memory_space<vmem>>, vector<16xf32>,
      %mul3A_157 = vector.broadcast %scan3A_52 : f32 to vector<16xf32>
      %mul3A_158 = arith.mulf %scan3A_76#10, %mul3A_157 : vector<16xf32>
      %add3A_159 = arith.constant 256 : i32
      %add3A_160 = arith.addi %add3A_159, %mul3A_71 : i32
      %swap3A_161 = arith.constant 10 : i32
      %swap3A_162 = arith.index_cast %swap3A_161 : i32 to index
      %swap3A_163 = arith.index_cast %add3A_160 : i32 to index
      %swap3A_164 = tpu.vector_load %arg8[%swap3A_162, %swap3A_163] {strides = array<i32>} : memref<12x512xf32, #tpu.memory_space<vmem>>, vector<16xf32>,
      tpu.vector_store %arg8[%swap3A_162, %swap3A_163], %mul3A_158 {strides = array<i32>} : memref<12x512xf32, #tpu.memory_space<vmem>>, vector<16xf32>,
      %mul3A_165 = vector.broadcast %scan3A_52 : f32 to vector<16xf32>
      %mul3A_166 = arith.mulf %scan3A_76#11, %mul3A_165 : vector<16xf32>
      %add3A_167 = arith.constant 256 : i32
      %add3A_168 = arith.addi %add3A_167, %mul3A_71 : i32
      %swap3A_169 = arith.constant 11 : i32
      %swap3A_170 = arith.index_cast %swap3A_169 : i32 to index
      %swap3A_171 = arith.index_cast %add3A_168 : i32 to index
      %swap3A_172 = tpu.vector_load %arg8[%swap3A_170, %swap3A_171] {strides = array<i32>} : memref<12x512xf32, #tpu.memory_space<vmem>>, vector<16xf32>,
      tpu.vector_store %arg8[%swap3A_170, %swap3A_171], %mul3A_166 {strides = array<i32>} : memref<12x512xf32, #tpu.memory_space<vmem>>, vector<16xf32>,
    }
    %scan3A_57 = arith.constant 8 : i32
    %dma_wait3A_58 = arith.constant 0 : i32
    %dma_wait3A_59 = tpu.memref_slice %arg2[%dma_wait3A_58, %add3A_10] : memref<200x16384xi32, #tpu.memory_space<hbm>> -> memref<200x128xi32, #tpu.memory_space<hbm>>
    %dma_wait3A_60 = arith.constant 0 : i32
    %dma_wait3A_61 = tpu.memref_slice %arg2[%dma_wait3A_60, %add3A_10] : memref<200x16384xi32, #tpu.memory_space<hbm>> -> memref<200x128xi32, #tpu.memory_space<hbm>>
    tpu.wait_dma2 semaphore(%arg12 : memref<!tpu.dma_semaphore, #tpu.memory_space<semaphore_mem>>) src(%dma_wait3A_61 : memref<200x128xi32, #tpu.memory_space<hbm>>) dst(%arg7 : memref<200x128xi32, #tpu.memory_space<vmem>>)
    %scan3A_62 = arith.constant 0 : i32
    %scan3A_63 = arith.constant 5.000000e-03 : f32
    %scan3A_64 = arith.constant 0 : i32
    %scan3A_65 = arith.constant 8 : i32
    %scan3A_66 = arith.addi %scan3A_64, %scan3A_65 : i32
    %scan3A_67 = arith.constant 1 : i32
    scf.for %scan3A_69 = %scan3A_64 to %scan3A_66 step %scan3A_67  : i32 {
      %mul3A_70 = arith.constant 16 : i32
      %mul3A_71 = arith.muli %scan3A_69, %mul3A_70 : i32
      %scan3A_72 = arith.constant 0 : i32
      %scan3A_73 = arith.constant 100 : i32
      %scan3A_74 = arith.addi %scan3A_72, %scan3A_73 : i32
      %scan3A_75 = arith.constant 1 : i32
      %scan3A_76:12 = scf.for %scan3A_173 = %scan3A_72 to %scan3A_74 step %scan3A_75 iter_args(%scan3A_174 = %broadcast_in_dim3A_18, %scan3A_175 = %broadcast_in_dim3A_18, %scan3A_176 = %broadcast_in_dim3A_18, %scan3A_177 = %broadcast_in_dim3A_18, %scan3A_178 = %broadcast_in_dim3A_18, %scan3A_179 = %broadcast_in_dim3A_18, %scan3A_180 = %broadcast_in_dim3A_18, %scan3A_181 = %broadcast_in_dim3A_18, %scan3A_182 = %broadcast_in_dim3A_18, %scan3A_183 = %broadcast_in_dim3A_18, %scan3A_184 = %broadcast_in_dim3A_18, %scan3A_185 = %broadcast_in_dim3A_18) -> (vector<16xf32>, vector<16xf32>, vector<16xf32>, vector<16xf32>, vector<16xf32>, vector<16xf32>, vector<16xf32>, vector<16xf32>, vector<16xf32>, vector<16xf32>, vector<16xf32>, vector<16xf32>)  : i32 {
        %mul3A_186 = arith.constant 2 : i32
        %mul3A_187 = arith.muli %scan3A_173, %mul3A_186 : i32
        %add3A_188 = arith.constant 0 : i32
        %add3A_189 = arith.addi %mul3A_187, %add3A_188 : i32
        %get3A = arith.index_cast %add3A_189 : i32 to index
        %get3A_190 = arith.index_cast %mul3A_71 : i32 to index
        %get3A_191 = tpu.vector_load %arg7[%get3A, %get3A_190] {strides = array<i32>} : memref<200x128xi32, #tpu.memory_space<vmem>>, vector<16xi32>,
        %mul3A_192 = arith.constant 96 : i32
        %mul3A_193 = vector.broadcast %mul3A_192 : i32 to vector<16xi32>
        %mul3A_194 = arith.muli %get3A_191, %mul3A_193 : vector<16xi32>
        %add3A_195 = arith.addi %mul3A_194, %iota3A : vector<16xi32>
        %gather3A = arith.constant 0 : i32
        %gather3A_196 = tpu.memref_slice %arg5[%gather3A] : memref<49152xi32, #tpu.memory_space<vmem>> -> memref<49056xi32, #tpu.memory_space<vmem>>
        %gather3A_197 = tpu.vector_load_idx %gather3A_196[%add3A_195] : memref<49056xi32, #tpu.memory_space<vmem>>[vector<16xi32>], vector<16xi32>,
        %shift_left3A = arith.constant 16 : i32
        %shift_left3A_198 = vector.broadcast %shift_left3A : i32 to vector<16xi32>
        %shift_left3A_199 = arith.shli %gather3A_197, %shift_left3A_198 : vector<16xi32>
        %bitcast3A = vector.bitcast %shift_left3A_199 : vector<16xi32> to vector<16xf32>
        %add3A_200 = arith.addf %scan3A_174, %bitcast3A : vector<16xf32>
        %bitcast3A_201 = vector.bitcast %gather3A_197 : vector<16xi32> to vector<16xf32>
        %add3A_202 = arith.addf %scan3A_175, %bitcast3A_201 : vector<16xf32>
        %gather3A_203 = arith.constant 16 : i32
        %gather3A_204 = tpu.memref_slice %arg5[%gather3A_203] : memref<49152xi32, #tpu.memory_space<vmem>> -> memref<49056xi32, #tpu.memory_space<vmem>>
        %gather3A_205 = tpu.vector_load_idx %gather3A_204[%add3A_195] : memref<49056xi32, #tpu.memory_space<vmem>>[vector<16xi32>], vector<16xi32>,
        %shift_left3A_206 = arith.constant 16 : i32
        %shift_left3A_207 = vector.broadcast %shift_left3A_206 : i32 to vector<16xi32>
        %shift_left3A_208 = arith.shli %gather3A_205, %shift_left3A_207 : vector<16xi32>
        %bitcast3A_209 = vector.bitcast %shift_left3A_208 : vector<16xi32> to vector<16xf32>
        %add3A_210 = arith.addf %scan3A_176, %bitcast3A_209 : vector<16xf32>
        %bitcast3A_211 = vector.bitcast %gather3A_205 : vector<16xi32> to vector<16xf32>
        %add3A_212 = arith.addf %scan3A_177, %bitcast3A_211 : vector<16xf32>
        %gather3A_213 = arith.constant 32 : i32
        %gather3A_214 = tpu.memref_slice %arg5[%gather3A_213] : memref<49152xi32, #tpu.memory_space<vmem>> -> memref<49056xi32, #tpu.memory_space<vmem>>
        %gather3A_215 = tpu.vector_load_idx %gather3A_214[%add3A_195] : memref<49056xi32, #tpu.memory_space<vmem>>[vector<16xi32>], vector<16xi32>,
        %shift_left3A_216 = arith.constant 16 : i32
        %shift_left3A_217 = vector.broadcast %shift_left3A_216 : i32 to vector<16xi32>
        %shift_left3A_218 = arith.shli %gather3A_215, %shift_left3A_217 : vector<16xi32>
        %bitcast3A_219 = vector.bitcast %shift_left3A_218 : vector<16xi32> to vector<16xf32>
        %add3A_220 = arith.addf %scan3A_178, %bitcast3A_219 : vector<16xf32>
        %bitcast3A_221 = vector.bitcast %gather3A_215 : vector<16xi32> to vector<16xf32>
        %add3A_222 = arith.addf %scan3A_179, %bitcast3A_221 : vector<16xf32>
        %gather3A_223 = arith.constant 48 : i32
        %gather3A_224 = tpu.memref_slice %arg5[%gather3A_223] : memref<49152xi32, #tpu.memory_space<vmem>> -> memref<49056xi32, #tpu.memory_space<vmem>>
        %gather3A_225 = tpu.vector_load_idx %gather3A_224[%add3A_195] : memref<49056xi32, #tpu.memory_space<vmem>>[vector<16xi32>], vector<16xi32>,
        %shift_left3A_226 = arith.constant 16 : i32
        %shift_left3A_227 = vector.broadcast %shift_left3A_226 : i32 to vector<16xi32>
        %shift_left3A_228 = arith.shli %gather3A_225, %shift_left3A_227 : vector<16xi32>
        %bitcast3A_229 = vector.bitcast %shift_left3A_228 : vector<16xi32> to vector<16xf32>
        %add3A_230 = arith.addf %scan3A_180, %bitcast3A_229 : vector<16xf32>
        %bitcast3A_231 = vector.bitcast %gather3A_225 : vector<16xi32> to vector<16xf32>
        %add3A_232 = arith.addf %scan3A_181, %bitcast3A_231 : vector<16xf32>
        %gather3A_233 = arith.constant 64 : i32
        %gather3A_234 = tpu.memref_slice %arg5[%gather3A_233] : memref<49152xi32, #tpu.memory_space<vmem>> -> memref<49056xi32, #tpu.memory_space<vmem>>
        %gather3A_235 = tpu.vector_load_idx %gather3A_234[%add3A_195] : memref<49056xi32, #tpu.memory_space<vmem>>[vector<16xi32>], vector<16xi32>,
        %shift_left3A_236 = arith.constant 16 : i32
        %shift_left3A_237 = vector.broadcast %shift_left3A_236 : i32 to vector<16xi32>
        %shift_left3A_238 = arith.shli %gather3A_235, %shift_left3A_237 : vector<16xi32>
        %bitcast3A_239 = vector.bitcast %shift_left3A_238 : vector<16xi32> to vector<16xf32>
        %add3A_240 = arith.addf %scan3A_182, %bitcast3A_239 : vector<16xf32>
        %bitcast3A_241 = vector.bitcast %gather3A_235 : vector<16xi32> to vector<16xf32>
        %add3A_242 = arith.addf %scan3A_183, %bitcast3A_241 : vector<16xf32>
        %gather3A_243 = arith.constant 80 : i32
        %gather3A_244 = tpu.memref_slice %arg5[%gather3A_243] : memref<49152xi32, #tpu.memory_space<vmem>> -> memref<49056xi32, #tpu.memory_space<vmem>>
        %gather3A_245 = tpu.vector_load_idx %gather3A_244[%add3A_195] : memref<49056xi32, #tpu.memory_space<vmem>>[vector<16xi32>], vector<16xi32>,
        %shift_left3A_246 = arith.constant 16 : i32
        %shift_left3A_247 = vector.broadcast %shift_left3A_246 : i32 to vector<16xi32>
        %shift_left3A_248 = arith.shli %gather3A_245, %shift_left3A_247 : vector<16xi32>
        %bitcast3A_249 = vector.bitcast %shift_left3A_248 : vector<16xi32> to vector<16xf32>
        %add3A_250 = arith.addf %scan3A_184, %bitcast3A_249 : vector<16xf32>
        %bitcast3A_251 = vector.bitcast %gather3A_245 : vector<16xi32> to vector<16xf32>
        %add3A_252 = arith.addf %scan3A_185, %bitcast3A_251 : vector<16xf32>
        %add3A_253 = arith.constant 1 : i32
        %add3A_254 = arith.addi %mul3A_187, %add3A_253 : i32
        %get3A_255 = arith.index_cast %add3A_254 : i32 to index
        %get3A_256 = arith.index_cast %mul3A_71 : i32 to index
        %get3A_257 = tpu.vector_load %arg7[%get3A_255, %get3A_256] {strides = array<i32>} : memref<200x128xi32, #tpu.memory_space<vmem>>, vector<16xi32>,
        %mul3A_258 = arith.constant 96 : i32
        %mul3A_259 = vector.broadcast %mul3A_258 : i32 to vector<16xi32>
        %mul3A_260 = arith.muli %get3A_257, %mul3A_259 : vector<16xi32>
        %add3A_261 = arith.addi %mul3A_260, %iota3A : vector<16xi32>
        %gather3A_262 = arith.constant 0 : i32
        %gather3A_263 = tpu.memref_slice %arg5[%gather3A_262] : memref<49152xi32, #tpu.memory_space<vmem>> -> memref<49056xi32, #tpu.memory_space<vmem>>
        %gather3A_264 = tpu.vector_load_idx %gather3A_263[%add3A_261] : memref<49056xi32, #tpu.memory_space<vmem>>[vector<16xi32>], vector<16xi32>,
        %shift_left3A_265 = arith.constant 16 : i32
        %shift_left3A_266 = vector.broadcast %shift_left3A_265 : i32 to vector<16xi32>
        %shift_left3A_267 = arith.shli %gather3A_264, %shift_left3A_266 : vector<16xi32>
        %bitcast3A_268 = vector.bitcast %shift_left3A_267 : vector<16xi32> to vector<16xf32>
        %add3A_269 = arith.addf %add3A_200, %bitcast3A_268 : vector<16xf32>
        %bitcast3A_270 = vector.bitcast %gather3A_264 : vector<16xi32> to vector<16xf32>
        %add3A_271 = arith.addf %add3A_202, %bitcast3A_270 : vector<16xf32>
        %gather3A_272 = arith.constant 16 : i32
        %gather3A_273 = tpu.memref_slice %arg5[%gather3A_272] : memref<49152xi32, #tpu.memory_space<vmem>> -> memref<49056xi32, #tpu.memory_space<vmem>>
        %gather3A_274 = tpu.vector_load_idx %gather3A_273[%add3A_261] : memref<49056xi32, #tpu.memory_space<vmem>>[vector<16xi32>], vector<16xi32>,
        %shift_left3A_275 = arith.constant 16 : i32
        %shift_left3A_276 = vector.broadcast %shift_left3A_275 : i32 to vector<16xi32>
        %shift_left3A_277 = arith.shli %gather3A_274, %shift_left3A_276 : vector<16xi32>
        %bitcast3A_278 = vector.bitcast %shift_left3A_277 : vector<16xi32> to vector<16xf32>
        %add3A_279 = arith.addf %add3A_210, %bitcast3A_278 : vector<16xf32>
        %bitcast3A_280 = vector.bitcast %gather3A_274 : vector<16xi32> to vector<16xf32>
        %add3A_281 = arith.addf %add3A_212, %bitcast3A_280 : vector<16xf32>
        %gather3A_282 = arith.constant 32 : i32
        %gather3A_283 = tpu.memref_slice %arg5[%gather3A_282] : memref<49152xi32, #tpu.memory_space<vmem>> -> memref<49056xi32, #tpu.memory_space<vmem>>
        %gather3A_284 = tpu.vector_load_idx %gather3A_283[%add3A_261] : memref<49056xi32, #tpu.memory_space<vmem>>[vector<16xi32>], vector<16xi32>,
        %shift_left3A_285 = arith.constant 16 : i32
        %shift_left3A_286 = vector.broadcast %shift_left3A_285 : i32 to vector<16xi32>
        %shift_left3A_287 = arith.shli %gather3A_284, %shift_left3A_286 : vector<16xi32>
        %bitcast3A_288 = vector.bitcast %shift_left3A_287 : vector<16xi32> to vector<16xf32>
        %add3A_289 = arith.addf %add3A_220, %bitcast3A_288 : vector<16xf32>
        %bitcast3A_290 = vector.bitcast %gather3A_284 : vector<16xi32> to vector<16xf32>
        %add3A_291 = arith.addf %add3A_222, %bitcast3A_290 : vector<16xf32>
        %gather3A_292 = arith.constant 48 : i32
        %gather3A_293 = tpu.memref_slice %arg5[%gather3A_292] : memref<49152xi32, #tpu.memory_space<vmem>> -> memref<49056xi32, #tpu.memory_space<vmem>>
        %gather3A_294 = tpu.vector_load_idx %gather3A_293[%add3A_261] : memref<49056xi32, #tpu.memory_space<vmem>>[vector<16xi32>], vector<16xi32>,
        %shift_left3A_295 = arith.constant 16 : i32
        %shift_left3A_296 = vector.broadcast %shift_left3A_295 : i32 to vector<16xi32>
        %shift_left3A_297 = arith.shli %gather3A_294, %shift_left3A_296 : vector<16xi32>
        %bitcast3A_298 = vector.bitcast %shift_left3A_297 : vector<16xi32> to vector<16xf32>
        %add3A_299 = arith.addf %add3A_230, %bitcast3A_298 : vector<16xf32>
        %bitcast3A_300 = vector.bitcast %gather3A_294 : vector<16xi32> to vector<16xf32>
        %add3A_301 = arith.addf %add3A_232, %bitcast3A_300 : vector<16xf32>
        %gather3A_302 = arith.constant 64 : i32
        %gather3A_303 = tpu.memref_slice %arg5[%gather3A_302] : memref<49152xi32, #tpu.memory_space<vmem>> -> memref<49056xi32, #tpu.memory_space<vmem>>
        %gather3A_304 = tpu.vector_load_idx %gather3A_303[%add3A_261] : memref<49056xi32, #tpu.memory_space<vmem>>[vector<16xi32>], vector<16xi32>,
        %shift_left3A_305 = arith.constant 16 : i32
        %shift_left3A_306 = vector.broadcast %shift_left3A_305 : i32 to vector<16xi32>
        %shift_left3A_307 = arith.shli %gather3A_304, %shift_left3A_306 : vector<16xi32>
        %bitcast3A_308 = vector.bitcast %shift_left3A_307 : vector<16xi32> to vector<16xf32>
        %add3A_309 = arith.addf %add3A_240, %bitcast3A_308 : vector<16xf32>
        %bitcast3A_310 = vector.bitcast %gather3A_304 : vector<16xi32> to vector<16xf32>
        %add3A_311 = arith.addf %add3A_242, %bitcast3A_310 : vector<16xf32>
        %gather3A_312 = arith.constant 80 : i32
        %gather3A_313 = tpu.memref_slice %arg5[%gather3A_312] : memref<49152xi32, #tpu.memory_space<vmem>> -> memref<49056xi32, #tpu.memory_space<vmem>>
        %gather3A_314 = tpu.vector_load_idx %gather3A_313[%add3A_261] : memref<49056xi32, #tpu.memory_space<vmem>>[vector<16xi32>], vector<16xi32>,
        %shift_left3A_315 = arith.constant 16 : i32
        %shift_left3A_316 = vector.broadcast %shift_left3A_315 : i32 to vector<16xi32>
        %shift_left3A_317 = arith.shli %gather3A_314, %shift_left3A_316 : vector<16xi32>
        %bitcast3A_318 = vector.bitcast %shift_left3A_317 : vector<16xi32> to vector<16xf32>
        %add3A_319 = arith.addf %add3A_250, %bitcast3A_318 : vector<16xf32>
        %bitcast3A_320 = vector.bitcast %gather3A_314 : vector<16xi32> to vector<16xf32>
        %add3A_321 = arith.addf %add3A_252, %bitcast3A_320 : vector<16xf32>
        scf.yield %add3A_269, %add3A_271, %add3A_279, %add3A_281, %add3A_289, %add3A_291, %add3A_299, %add3A_301, %add3A_309, %add3A_311, %add3A_319, %add3A_321 : vector<16xf32>, vector<16xf32>, vector<16xf32>, vector<16xf32>, vector<16xf32>, vector<16xf32>, vector<16xf32>, vector<16xf32>, vector<16xf32>, vector<16xf32>, vector<16xf32>, vector<16xf32>
      }
      %scan3A_77 = arith.constant 100 : i32
      %mul3A_78 = vector.broadcast %scan3A_63 : f32 to vector<16xf32>
      %mul3A_79 = arith.mulf %scan3A_76#0, %mul3A_78 : vector<16xf32>
      %add3A_80 = arith.constant 384 : i32
      %add3A_81 = arith.addi %add3A_80, %mul3A_71 : i32
      %swap3A = arith.constant 0 : i32
      %swap3A_82 = arith.index_cast %swap3A : i32 to index
      %swap3A_83 = arith.index_cast %add3A_81 : i32 to index
      %swap3A_84 = tpu.vector_load %arg8[%swap3A_82, %swap3A_83] {strides = array<i32>} : memref<12x512xf32, #tpu.memory_space<vmem>>, vector<16xf32>,
      tpu.vector_store %arg8[%swap3A_82, %swap3A_83], %mul3A_79 {strides = array<i32>} : memref<12x512xf32, #tpu.memory_space<vmem>>, vector<16xf32>,
      %mul3A_85 = vector.broadcast %scan3A_63 : f32 to vector<16xf32>
      %mul3A_86 = arith.mulf %scan3A_76#1, %mul3A_85 : vector<16xf32>
      %add3A_87 = arith.constant 384 : i32
      %add3A_88 = arith.addi %add3A_87, %mul3A_71 : i32
      %swap3A_89 = arith.constant 1 : i32
      %swap3A_90 = arith.index_cast %swap3A_89 : i32 to index
      %swap3A_91 = arith.index_cast %add3A_88 : i32 to index
      %swap3A_92 = tpu.vector_load %arg8[%swap3A_90, %swap3A_91] {strides = array<i32>} : memref<12x512xf32, #tpu.memory_space<vmem>>, vector<16xf32>,
      tpu.vector_store %arg8[%swap3A_90, %swap3A_91], %mul3A_86 {strides = array<i32>} : memref<12x512xf32, #tpu.memory_space<vmem>>, vector<16xf32>,
      %mul3A_93 = vector.broadcast %scan3A_63 : f32 to vector<16xf32>
      %mul3A_94 = arith.mulf %scan3A_76#2, %mul3A_93 : vector<16xf32>
      %add3A_95 = arith.constant 384 : i32
      %add3A_96 = arith.addi %add3A_95, %mul3A_71 : i32
      %swap3A_97 = arith.constant 2 : i32
      %swap3A_98 = arith.index_cast %swap3A_97 : i32 to index
      %swap3A_99 = arith.index_cast %add3A_96 : i32 to index
      %swap3A_100 = tpu.vector_load %arg8[%swap3A_98, %swap3A_99] {strides = array<i32>} : memref<12x512xf32, #tpu.memory_space<vmem>>, vector<16xf32>,
      tpu.vector_store %arg8[%swap3A_98, %swap3A_99], %mul3A_94 {strides = array<i32>} : memref<12x512xf32, #tpu.memory_space<vmem>>, vector<16xf32>,
      %mul3A_101 = vector.broadcast %scan3A_63 : f32 to vector<16xf32>
      %mul3A_102 = arith.mulf %scan3A_76#3, %mul3A_101 : vector<16xf32>
      %add3A_103 = arith.constant 384 : i32
      %add3A_104 = arith.addi %add3A_103, %mul3A_71 : i32
      %swap3A_105 = arith.constant 3 : i32
      %swap3A_106 = arith.index_cast %swap3A_105 : i32 to index
      %swap3A_107 = arith.index_cast %add3A_104 : i32 to index
      %swap3A_108 = tpu.vector_load %arg8[%swap3A_106, %swap3A_107] {strides = array<i32>} : memref<12x512xf32, #tpu.memory_space<vmem>>, vector<16xf32>,
      tpu.vector_store %arg8[%swap3A_106, %swap3A_107], %mul3A_102 {strides = array<i32>} : memref<12x512xf32, #tpu.memory_space<vmem>>, vector<16xf32>,
      %mul3A_109 = vector.broadcast %scan3A_63 : f32 to vector<16xf32>
      %mul3A_110 = arith.mulf %scan3A_76#4, %mul3A_109 : vector<16xf32>
      %add3A_111 = arith.constant 384 : i32
      %add3A_112 = arith.addi %add3A_111, %mul3A_71 : i32
      %swap3A_113 = arith.constant 4 : i32
      %swap3A_114 = arith.index_cast %swap3A_113 : i32 to index
      %swap3A_115 = arith.index_cast %add3A_112 : i32 to index
      %swap3A_116 = tpu.vector_load %arg8[%swap3A_114, %swap3A_115] {strides = array<i32>} : memref<12x512xf32, #tpu.memory_space<vmem>>, vector<16xf32>,
      tpu.vector_store %arg8[%swap3A_114, %swap3A_115], %mul3A_110 {strides = array<i32>} : memref<12x512xf32, #tpu.memory_space<vmem>>, vector<16xf32>,
      %mul3A_117 = vector.broadcast %scan3A_63 : f32 to vector<16xf32>
      %mul3A_118 = arith.mulf %scan3A_76#5, %mul3A_117 : vector<16xf32>
      %add3A_119 = arith.constant 384 : i32
      %add3A_120 = arith.addi %add3A_119, %mul3A_71 : i32
      %swap3A_121 = arith.constant 5 : i32
      %swap3A_122 = arith.index_cast %swap3A_121 : i32 to index
      %swap3A_123 = arith.index_cast %add3A_120 : i32 to index
      %swap3A_124 = tpu.vector_load %arg8[%swap3A_122, %swap3A_123] {strides = array<i32>} : memref<12x512xf32, #tpu.memory_space<vmem>>, vector<16xf32>,
      tpu.vector_store %arg8[%swap3A_122, %swap3A_123], %mul3A_118 {strides = array<i32>} : memref<12x512xf32, #tpu.memory_space<vmem>>, vector<16xf32>,
      %mul3A_125 = vector.broadcast %scan3A_63 : f32 to vector<16xf32>
      %mul3A_126 = arith.mulf %scan3A_76#6, %mul3A_125 : vector<16xf32>
      %add3A_127 = arith.constant 384 : i32
      %add3A_128 = arith.addi %add3A_127, %mul3A_71 : i32
      %swap3A_129 = arith.constant 6 : i32
      %swap3A_130 = arith.index_cast %swap3A_129 : i32 to index
      %swap3A_131 = arith.index_cast %add3A_128 : i32 to index
      %swap3A_132 = tpu.vector_load %arg8[%swap3A_130, %swap3A_131] {strides = array<i32>} : memref<12x512xf32, #tpu.memory_space<vmem>>, vector<16xf32>,
      tpu.vector_store %arg8[%swap3A_130, %swap3A_131], %mul3A_126 {strides = array<i32>} : memref<12x512xf32, #tpu.memory_space<vmem>>, vector<16xf32>,
      %mul3A_133 = vector.broadcast %scan3A_63 : f32 to vector<16xf32>
      %mul3A_134 = arith.mulf %scan3A_76#7, %mul3A_133 : vector<16xf32>
      %add3A_135 = arith.constant 384 : i32
      %add3A_136 = arith.addi %add3A_135, %mul3A_71 : i32
      %swap3A_137 = arith.constant 7 : i32
      %swap3A_138 = arith.index_cast %swap3A_137 : i32 to index
      %swap3A_139 = arith.index_cast %add3A_136 : i32 to index
      %swap3A_140 = tpu.vector_load %arg8[%swap3A_138, %swap3A_139] {strides = array<i32>} : memref<12x512xf32, #tpu.memory_space<vmem>>, vector<16xf32>,
      tpu.vector_store %arg8[%swap3A_138, %swap3A_139], %mul3A_134 {strides = array<i32>} : memref<12x512xf32, #tpu.memory_space<vmem>>, vector<16xf32>,
      %mul3A_141 = vector.broadcast %scan3A_63 : f32 to vector<16xf32>
      %mul3A_142 = arith.mulf %scan3A_76#8, %mul3A_141 : vector<16xf32>
      %add3A_143 = arith.constant 384 : i32
      %add3A_144 = arith.addi %add3A_143, %mul3A_71 : i32
      %swap3A_145 = arith.constant 8 : i32
      %swap3A_146 = arith.index_cast %swap3A_145 : i32 to index
      %swap3A_147 = arith.index_cast %add3A_144 : i32 to index
      %swap3A_148 = tpu.vector_load %arg8[%swap3A_146, %swap3A_147] {strides = array<i32>} : memref<12x512xf32, #tpu.memory_space<vmem>>, vector<16xf32>,
      tpu.vector_store %arg8[%swap3A_146, %swap3A_147], %mul3A_142 {strides = array<i32>} : memref<12x512xf32, #tpu.memory_space<vmem>>, vector<16xf32>,
      %mul3A_149 = vector.broadcast %scan3A_63 : f32 to vector<16xf32>
      %mul3A_150 = arith.mulf %scan3A_76#9, %mul3A_149 : vector<16xf32>
      %add3A_151 = arith.constant 384 : i32
      %add3A_152 = arith.addi %add3A_151, %mul3A_71 : i32
      %swap3A_153 = arith.constant 9 : i32
      %swap3A_154 = arith.index_cast %swap3A_153 : i32 to index
      %swap3A_155 = arith.index_cast %add3A_152 : i32 to index
      %swap3A_156 = tpu.vector_load %arg8[%swap3A_154, %swap3A_155] {strides = array<i32>} : memref<12x512xf32, #tpu.memory_space<vmem>>, vector<16xf32>,
      tpu.vector_store %arg8[%swap3A_154, %swap3A_155], %mul3A_150 {strides = array<i32>} : memref<12x512xf32, #tpu.memory_space<vmem>>, vector<16xf32>,
      %mul3A_157 = vector.broadcast %scan3A_63 : f32 to vector<16xf32>
      %mul3A_158 = arith.mulf %scan3A_76#10, %mul3A_157 : vector<16xf32>
      %add3A_159 = arith.constant 384 : i32
      %add3A_160 = arith.addi %add3A_159, %mul3A_71 : i32
      %swap3A_161 = arith.constant 10 : i32
      %swap3A_162 = arith.index_cast %swap3A_161 : i32 to index
      %swap3A_163 = arith.index_cast %add3A_160 : i32 to index
      %swap3A_164 = tpu.vector_load %arg8[%swap3A_162, %swap3A_163] {strides = array<i32>} : memref<12x512xf32, #tpu.memory_space<vmem>>, vector<16xf32>,
      tpu.vector_store %arg8[%swap3A_162, %swap3A_163], %mul3A_158 {strides = array<i32>} : memref<12x512xf32, #tpu.memory_space<vmem>>, vector<16xf32>,
      %mul3A_165 = vector.broadcast %scan3A_63 : f32 to vector<16xf32>
      %mul3A_166 = arith.mulf %scan3A_76#11, %mul3A_165 : vector<16xf32>
      %add3A_167 = arith.constant 384 : i32
      %add3A_168 = arith.addi %add3A_167, %mul3A_71 : i32
      %swap3A_169 = arith.constant 11 : i32
      %swap3A_170 = arith.index_cast %swap3A_169 : i32 to index
      %swap3A_171 = arith.index_cast %add3A_168 : i32 to index
      %swap3A_172 = tpu.vector_load %arg8[%swap3A_170, %swap3A_171] {strides = array<i32>} : memref<12x512xf32, #tpu.memory_space<vmem>>, vector<16xf32>,
      tpu.vector_store %arg8[%swap3A_170, %swap3A_171], %mul3A_166 {strides = array<i32>} : memref<12x512xf32, #tpu.memory_space<vmem>>, vector<16xf32>,
    }
    %scan3A_68 = arith.constant 8 : i32
    "tpu.region"() ({
      %run_scoped3A = tpu.sem_alloc : memref<!tpu.dma_semaphore, #tpu.memory_space<semaphore_mem>>
      %dma_start3A_69 = arith.constant 0 : i32
      %dma_start3A_70 = tpu.memref_slice %arg4[%dma_start3A_69, %mul3A_2] : memref<12x16384xf32, #tpu.memory_space<hbm>> -> memref<12x512xf32, #tpu.memory_space<hbm>>
      %dma_start3A_71 = arith.constant 0 : i32
      %dma_start3A_72 = tpu.memref_slice %arg4[%dma_start3A_71, %mul3A_2] : memref<12x16384xf32, #tpu.memory_space<hbm>> -> memref<12x512xf32, #tpu.memory_space<hbm>>
      tpu.enqueue_dma source(%arg8 : memref<12x512xf32, #tpu.memory_space<vmem>>) target(%dma_start3A_72 : memref<12x512xf32, #tpu.memory_space<hbm>>) target_semaphore(%run_scoped3A : memref<!tpu.dma_semaphore, #tpu.memory_space<semaphore_mem>>)
      %dma_wait3A_73 = arith.constant 0 : i32
      %dma_wait3A_74 = tpu.memref_slice %arg4[%dma_wait3A_73, %mul3A_2] : memref<12x16384xf32, #tpu.memory_space<hbm>> -> memref<12x512xf32, #tpu.memory_space<hbm>>
      %dma_wait3A_75 = arith.constant 0 : i32
      %dma_wait3A_76 = tpu.memref_slice %arg4[%dma_wait3A_75, %mul3A_2] : memref<12x16384xf32, #tpu.memory_space<hbm>> -> memref<12x512xf32, #tpu.memory_space<hbm>>
      tpu.wait_dma2 semaphore(%run_scoped3A : memref<!tpu.dma_semaphore, #tpu.memory_space<semaphore_mem>>) src(%arg8 : memref<12x512xf32, #tpu.memory_space<vmem>>) dst(%dma_wait3A_76 : memref<12x512xf32, #tpu.memory_space<hbm>>)
      tpu.yield
    }) : () -> ()
    return
  }
}

</mosaic_0001>

<sc_bundles>
// kernel: kernel.3.cloned.1.call-start
scs
__scs_entry_jumppad:
0x0: {  	(pc) =	sbr.rel $0x88, $3  }
0x1: {  	(tag) =	ssettag $0x0;
	lr =	simm.s32 $0x1  }
0x2: {  	[smem:$0x3F9F] =	sst lr;
	_ =	strace $0xD0000000  }
0x3: {  	_ = 	snop  }
0x4: {  	_ = 	snop  }
0x5: {  	_ = 	snop  }
0x6: {  	_ = 	snop  }
0x7: {  	_ = 	snop  }
__scs_overlays_trampoline_lowered:
0x8: {  	[smem:$0x3FAE] =	sst s0  }
0x9: {  	[smem:$0x3FAF] =	sst s1  }
0xa: {  	[smem:$0x3FB0] =	sst s2  }
0xb: {  	[smem:$0x3FB1] =	sst s3  }
0xc: {  	[smem:$0x3FB2] =	sst s4  }
0xd: {  	[smem:$0x3FB3] =	sst s5  }
0xe: {  	[smem:$0x3FB4] =	sst s6  }
0xf: {  	[smem:$0x3FB5] =	sst s7  }
0x10: {  	[smem:$0x3FB6] =	sst s8  }
0x11: {  	[smem:$0x3FB7] =	sst s9;
	s0 =	simm.s32 @!p0 $0x0  }
0x12: {  	s1 =	sld [smem:$0x3F9D];
	s0 =	simm.s32 @p0 $0x1  }
0x13: {  	[smem:$0x3FB8] =	sst s0;
	s0 =	simm.s32 @!p1 $0x0  }
0x14: {  	s2 =	sld [smem:$0x3F9C];
	s0 =	simm.s32 @p1 $0x1  }
0x15: {  	[smem:$0x3FB9] =	sst s0;
	s0 =	simm.s32 @!p2 $0x0  }
0x16: {  	s3 =	sld [smem:$0x3FDB];
	s0 =	simm.s32 @p2 $0x1  }
0x17: {  	s4 =	simm.s32 $0x1BF5;
	[smem:$0x3FBB] =	sst s0  }
0x18: {  	s0 =	sld [smem:$0x3F9E];
	_ =	swait.ge [sflag:s4], $0x0  }
0x19: {  	s7 =	sld [smem:$0x3F9F]  }
0x1a: {  	s8 =	sadd.s32 $0xFFFFE003, lr  }
0x1b: {  	s9 =	sadd.s32 $0xFFFFFEF7, lr;
	s5 =	simm.s32 $0xFFFFFFFF;
	p2 =	slt.u32 s8, $0xFFFFF086  }
0x1c: {  	p1 =	slt.u32 s9, $0xF7A;
	s5 =	simm.s32 @!p2 $0x0  }
0x1d: {  	s5 =	simm.s32 @p1 $0x1;
	p0 =	seq.s32 s7, s2  }
0x1e: {  	s7 =	smul.u32 @!p0 $0xF7A, s2;
	p2 =	seq.s32 @!p0 s5, $0x0  }
0x1f: {  	s9 =	smul.u32 $0xF7A, s1;
	s8 =	simm.s32 @!p0 $0x1BF5;
	p2 =	por !p2, p0  }
0x20: {  	[sflag:s8] =	ssyncset.s32 @!p0 $0xFFFFF086;
	s6 =	sadd.s32 @!p0 s3, s7;
	s7 =	simm.s32 @!p0 $0x108  }
0x21: {  	s3 =	sadd.s32 s3, s9;
	s6 =	sadd.s32 @!p0 $0x88, s6;
	s7 =	simm.s32 @p2 $0x1082  }
0x22: {  	[simem:s7], [sflag:s8] =	dma.local @!p0 [hbm:s6], $0xF7A  }
0x23: {  	s9 =	sor.u32 $0xD0000000, s2;
	s6 =	simm.s32 $0x108;
	_ =	swait.ge @!p0 [sflag:s8], $0x0  }
0x24: {  	s3 =	sadd.s32 $0x88, s3;
	s6 =	simm.s32 @!p1 $0x1082;
	[sflag:s4] =	ssyncset.s32 $0xFFFFF086  }
0x25: {  	[simem:s6], [sflag:s4] =	dma.local [hbm:s3], $0xF7A  }
0x26: {  	[smem:$0x3F9F] =	sst s1;
	(tag) =	ssettag s2;
	_ =	strace s9  }
0x27: {  	s1 =	sld [smem:$0x3FAF]  }
0x28: {  	s2 =	sld [smem:$0x3FB0]  }
0x29: {  	s4 =	sld [smem:$0x3FB2]  }
0x2a: {  	p0 =	seq.s32 s5, $0x0;
	s5 =	sld [smem:$0x3FB3]  }
0x2b: {  	s6 =	sld [smem:$0x3FB4]  }
0x2c: {  	s7 =	sld [smem:$0x3FB5]  }
0x2d: {  	s3 =	simm.s32 $0x108;
	s8 =	sld [smem:$0x3FB6]  }
0x2e: {  	s3 =	simm.s32 @!p0 $0x1082;
	s9 =	sld [smem:$0x3FB7]  }
0x2f: {  	lr =	sadd.s32 s0, s3;
	s0 =	sld [smem:$0x3FAE]  }
0x30: {  	s3 =	sld [smem:$0x3FB1]  }
0x31: {  	[smem:$0x3FBA] =	sst s10  }
0x32: {  	s10 =	sld [smem:$0x3FB8];
	_ =	sdelay $0x3  }
0x33: {  	p0 =	seq.s32 s10, $0x1;
	s10 =	sld [smem:$0x3FBA];
	_ =	sdelay $0x3  }
0x34: {  	[smem:$0x3FBA] =	sst s10  }
0x35: {  	s10 =	sld [smem:$0x3FB9];
	_ =	sdelay $0x3  }
0x36: {  	p1 =	seq.s32 s10, $0x1;
	s10 =	sld [smem:$0x3FBA];
	_ =	sdelay $0x3  }
0x37: {  	[smem:$0x3FBA] =	sst s10  }
0x38: {  	s10 =	sld [smem:$0x3FBB]  }
0x39: {  	_ = 	snop;
	(pc) =	sbr.ind lr, $3  }
0x3a: {  	_ = 	snop  }
0x3b: {  	_ = 	snop  }
0x3c: {  	p2 =	seq.s32 s10, $0x1;
	s10 =	sld [smem:$0x3FBA]  }
0x3d: {  	_ =	shalt  }
0x3e: {  	_ =	shalt  }
0x3f: {  	_ =	shalt  }
0x40: {  	_ =	shalt  }
0x41: {  	_ =	shalt  }
0x42: {  	_ =	shalt  }
0x43: {  	_ =	shalt  }
0x44: {  	_ =	shalt  }
0x45: {  	_ =	shalt  }
0x46: {  	_ =	shalt  }
0x47: {  	_ =	shalt  }
0x48: {  	_ =	shalt  }
0x49: {  	_ =	shalt  }
0x4a: {  	_ =	shalt  }
0x4b: {  	_ =	shalt  }
0x4c: {  	_ =	shalt  }
0x4d: {  	_ =	shalt  }
0x4e: {  	_ =	shalt  }
0x4f: {  	_ =	shalt  }
0x50: {  	_ =	shalt  }
0x51: {  	_ =	shalt  }
0x52: {  	_ =	shalt  }
0x53: {  	_ =	shalt  }
0x54: {  	_ =	shalt  }
0x55: {  	_ =	shalt  }
0x56: {  	_ =	shalt  }
0x57: {  	_ =	shalt  }
0x58: {  	_ =	shalt  }
0x59: {  	_ =	shalt  }
0x5a: {  	_ =	shalt  }
0x5b: {  	_ =	shalt  }
0x5c: {  	_ =	shalt  }
0x5d: {  	_ =	shalt  }
0x5e: {  	_ =	shalt  }
0x5f: {  	_ =	shalt  }
0x60: {  	_ =	shalt  }
0x61: {  	_ =	shalt  }
0x62: {  	_ =	shalt  }
0x63: {  	_ =	shalt  }
0x64: {  	_ =	shalt  }
0x65: {  	_ =	shalt  }
0x66: {  	_ =	shalt  }
0x67: {  	_ =	shalt  }
0x68: {  	_ =	shalt  }
0x69: {  	_ =	shalt  }
0x6a: {  	_ =	shalt  }
0x6b: {  	_ =	shalt  }
0x6c: {  	_ =	shalt  }
0x6d: {  	_ =	shalt  }
0x6e: {  	_ =	shalt  }
0x6f: {  	_ =	shalt  }
0x70: {  	_ =	shalt  }
0x71: {  	_ =	shalt  }
0x72: {  	_ =	shalt  }
0x73: {  	_ =	shalt  }
0x74: {  	_ =	shalt  }
0x75: {  	_ =	shalt  }
0x76: {  	_ =	shalt  }
0x77: {  	_ =	shalt  }
0x78: {  	_ =	shalt  }
0x79: {  	_ =	shalt  }
0x7a: {  	_ =	shalt  }
0x7b: {  	_ =	shalt  }
0x7c: {  	_ =	shalt  }
0x7d: {  	_ =	shalt  }
0x7e: {  	_ =	shalt  }
0x7f: {  	_ =	shalt  }
0x80: {  	_ =	shalt  }
0x81: {  	_ =	shalt  }
0x82: {  	_ =	shalt  }
0x83: {  	_ =	shalt  }
0x84: {  	_ =	shalt  }
0x85: {  	_ =	shalt  }
0x86: {  	_ =	shalt  }
0x87: {  	_ =	shalt  }
.Lfunc_end0:
.L_simem_size_0:
called_computation_lowered:
.L_overlay_start_0:
0x88: {  	s2 =	sld [smem:$0x3FD9]  }
0x89: {  	s3 =	sld [smem:$0x3FFE];
	_ =	sdelay $0x1  }
0x8a: {  	s1 =	srdreg.scid  }
0x8b: {  	s0 =	sand.u32 $0x1, s1  }
0x8c: {  	s17 =	sshll.u32 s0, $0xA;
	s2 =	sadd.s32 s3, s2  }
0x8d: {  	s2 =	sadd.s32 s2, s17  }
0x8e: {  	[smem:$0x3FC6] =	sst s2  }
0x8f: {  	_ = 	snop  }
0x90: {  	s2 =	sld [smem:$0x3FC9]  }
0x91: {  	s18 =	sld [smem:$0x3FD0];
	(tm) =	ssettm $0x1  }
0x92: {  	s4 =	sld [smem:$0x3FFB];
	_ =	sdelay $0x3  }
0x93: {  	_ =	strace s4  }
0x94: {  	s4 =	sld [smem:$0x3FFC];
	_ =	sdelay $0x3  }
0x95: {  	_ =	strace s4  }
0x96: {  	s4 =	sld [smem:$0x3FFD];
	_ =	sdelay $0x3  }
0x97: {  	_ =	strace s4  }
0x98: {  	_ =	strace $0x8FFFFFFF  }
0x99: {  	s19 =	sld [smem:$0x3FDB];
	_ =	sdelay $0x1  }
0x9a: {  	s5 =	simm.s32 $_scs_section_size  }
0x9b: {  	s6 =	simm.s32 $_size__tile_overlayer_lowered;
	s7 =	simm.s32 $_tile_overlayer_lowered  }
0x9c: {  	s22 =	simm.s32 $0x1BFF;
	s21 =	sshll.u32 s7, $0x1;
	s4 =	sadd.s32 s5, s19  }
0x9d: {  	s8 =	simm.s32 $0x0;
	s20 =	sshll.u32 s6, $0x1;
	s6 =	sadd.s32 s21, s4  }
0x9e: {  	[timem:s8], [sflag:s22] =	dma.local [hbm:s6], s20  }
0x9f: {  	_ =	swait.ge [sflag:s22], s20  }
0xa0: {  	s5 =	ssub.s32 $0x0, s20;
	[sflag:s22] =	ssyncset.done $0x0  }
0xa1: {  	[sflag:s22] =	ssyncadd.s32 s5;
	_ =	sdelay $0x1  }
0xa2: {  	s23 =	simm.s32 $0x1B8B  }
0xa3: {  	_ =	swait.ge [sflag:s23], $0x1  }
0xa4: {  	[sflag:s23] =	ssyncset.done $0x0  }
0xa5: {  	s25 =	simm.s32 $0x1B8E;
	s24 =	sld [smem:$0x3FFE];
	[sflag:s23] =	ssyncadd.s32 $0xFFFFFFFF  }
0xa6: {  	s26 =	simm.s32 $execute0_lowered;
	[smem:$0x3FD2] =	sst s25  }
0xa7: {  	s6 =	sshll.u32 s26, $0x1;
	_ =	strace $0x80000046;
	[dreg:$0x1] =	wrdreg $0xFFFFFFFF  }
0xa8: {  	s28 =	simm.s32 $_size_execute0_lowered;
	s4 =	sadd.s32 s4, s6;
	[dreg:$0x0] =	wrdreg $0x0  }
0xa9: {  	s6 =	sshll.u32 s28, $0x1;
	[dreg:$0x2] =	wrdreg s4  }
0xaa: {  	[dreg:$0x3] =	wrdreg s6  }
0xab: {  	[dreg:$0x4] =	wrdreg $0xC0  }
0xac: {  	_ =	task [dreg:s8], $0x5FFFF  }
0xad: {  	[dreg:$0x1] =	wrdreg $0xFFFFFFFF  }
0xae: {  	[dreg:$0x0] =	wrdreg $0x60  }
0xaf: {  	[dreg:$0x2] =	wrdreg s2  }
0xb0: {  	[dreg:$0x3] =	wrdreg s24  }
0xb1: {  	[dreg:$0x4] =	wrdreg s18  }
0xb2: {  	[dreg:$0x5] =	wrdreg $0x9  }
0xb3: {  	_ =	task.clear_ibuf [dreg:s8], $0x6FFFF;
	_ =	strace $0x90000046  }
0xb4: {  	s29 =	simm.s32 $0x9;
	_ =	strace $0x80000048  }
0xb5: {  	_ =	swait.ge [sflag:s29], $0x1  }
0xb6: {  	[sflag:s29] =	ssyncadd.s32 $0xFFFFFFFF  }
0xb7: {  	_ =	strace $0x90000048  }
0xb8: {  	_ =	sfence  }
0xb9: {  	s30 =	sld [smem:$0x0];
	_ =	sdelay $0x2  }
0xba: {  	s31 =	sshll.u32 s1, $0xD;
	s1 =	sshrl.u32 s1, $0x2  }
0xbb: {  	s3 =	sand.u32 $0x4000, s31;
	s1 =	sadd.s32 s1, s30  }
0xbc: {  	s0 =	sor.u32 s3, s0;
	s1 =	sshll.u32 s1, $0x11  }
0xbd: {  	s0 =	sor.u32 s1, s0  }
0xbe: {  	s0 =	sadd.s32 $0x8F2B, s0  }
0xbf: {  	[sflag:s0] =	ssyncadd.remote.s32 $0x1  }
0xc0: {  	_ =	sfence.sel $0xFFFF  }
0xc1: {  	[dreg:$0x0] =	wrdreg $0xFFFFFFFF;
	(pc) =	sbr.abs _section_cstart, $3  }
0xc2: {  	[dreg:$0x1] =	wrdreg $0xFFFFFFFF  }
0xc3: {  	_ =	task.clear_ibuf [dreg:s8], $0x2FFFF;
	_ =	strace $0x9FFFFFFF  }
0xc4: {  	(tm) =	ssettm $0x7FFFFFFF  }
0xc5: {  	_ =	shalt  }
tec
execute0_lowered:
.L_overlay_start_1:
0x0: {  	(tag) =	ssettag $0x1  }
0x1: {  	s3 =	rddreg [dreg:$0x0]  }
0x2: {  	s4 =	rddreg [dreg:$0x1]  }
0x3: {  	s8 =	rddreg [dreg:$0x2]  }
0x4: {  	s2 =	srdreg.scid;
	s1 =	stileid.u32;
	s11 =	simm.s32 $0x20000  }
0x5: {  	s12 =	simm.s32 $0x12400;
	s13 =	simm.s32 $0x5;
	s14 =	simm.s32 $0x1  }
0x6: {  	s15 =	simm.s32 $0x10;
	s16 =	simm.s32 $0x20;
	s17 =	simm.s32 $0x30  }
0x7: {  	s18 =	simm.s32 $0x40;
	s19 =	simm.s32 $0x50;
	s20 =	simm.s32 $0xC000  }
0x8: {  	s21 =	simm.s32 $0x2;
	s22 =	simm.s32 $0x3;
	s23 =	simm.s32 $0x4  }
0x9: {  	s24 =	simm.s32 $0x1000;
	s25 =	simm.s32 $0x18800;
	s26 =	simm.s32 $0x0  }
0xa: {  	s5 =	sand.u32 $0x1, s2;
	s2 =	simm.s32 $0x0;
	s6 =	sshll.u32 s1, $0xA  }
0xb: {  	s4 =	sadd.s32 $0x400, s4;
	s7 =	sshll.u32 s5, $0x9;
	s5 =	ssub.s32 $0x2, s5  }
0xc: {  	[smem:$0x7FF] =	sst s2;
	s9 =	sor.u32 s7, s6;
	s31 =	sshrl.u32 s5, $0x1  }
0xd: {  	_ =	strace $0x80000047;
	s3 =	sadd.s32 s3, s9;
	s10 =	ssub.s32 s5, s31  }
0xe: {  	s8 =	sadd.s32 s8, s9;
	s5 =	sadd.s32 $0x80, s3;
	s6 =	sadd.s32 $0x100, s3  }
0xf: {  	v0 =	vlaneseq.u32;
	s7 =	sadd.s32 $0x180, s3;
	s9 =	smax.u32 s10, $0x1;
	s10 =	simm.s32 $0x400  }
.LBB2_1:
0x10: {  	[tilespmem:s20], [sflag:$0x1] =	stream.strided.gather [hbm4b:s3+s10], $0x6400, s11, s10, $0x38;
	[tilespmem:$0x1A800] =	vst v63  }
0x11: {  	_ = 	snop  }
0x12: {  	[tilespmem:s12], [sflag:$0x2] =	stream.strided.gather [hbm4b:s5+s10], $0x6400, s11, s10, $0x38;
	[tilespmem:$0x1A800] =	vst v63  }
0x13: {  	_ = 	snop  }
0x14: {  	[tilespmem:s2], [sflag:$0x5] =	stream.linear.gather [hbm4b:s4+s2], $0xC000, $0x38;
	[tilespmem:$0x1A800] =	vst v63  }
0x15: {  	_ =	swait.ge [sflag:s13], $0xC000  }
0x16: {  	[sflag:s13] =	ssyncset.done $0x0  }
0x17: {  	[sflag:s13] =	ssyncadd.s32 $0xFFFF4000  }
0x18: {  	_ =	swait.ge [sflag:s14], $0x6400  }
0x19: {  	[sflag:s14] =	ssyncset.done $0x0  }
0x1a: {  	s28 =	simm.s32 $0xC000;
	s29 =	simm.s32 $0x0;
	[sflag:s14] =	ssyncadd.s32 $0xFFFF9C00  }
.LBB2_2:
0x1b: {  	v3 =	vmov s28;
	_ =	sdelay $0x3  }
0x1c: {  	s30 =	simm.s32 $0x0  }
0x1d: {  	v1 =	vld.idx.msk [tilespmem:v3+s30+$0x0 ss:$0x1], $0xffff  }
0x1e: {  	v2 =	vld.idx.msk [tilespmem:v3+s30+$0x80 ss:$0x1], $0xffff;
	_ =	sdelay $0x3  }
0x1f: {  	v1 =	vmul.u32 $0x60, v1  }
0x20: {  	v2 =	vmul.u32 $0x60, v2  }
0x21: {  	v7 =	vor.u32 v0, v1  }
0x22: {  	v4 =	vor.u32 v0, v2  }
0x23: {  	s30 =	simm.s32 $0x100  }
0x24: {  	v1 =	vld.idx.msk [tilespmem:v3+s30+$0x80 ss:$0x1], $0xffff  }
0x25: {  	v2 =	vld.idx.msk [tilespmem:v3+s30+$0x0 ss:$0x1], $0xffff  }
0x26: {  	v8 =	vld.idx.msk [tilespmem:v7+s15+$0x0], $0xffff  }
0x27: {  	v11 =	vld.idx.msk [tilespmem:v4+s15+$0x0], $0xffff  }
0x28: {  	v5 =	vld.idx.msk [tilespmem:v7+s19+$0x0], $0xffff  }
0x29: {  	v21 =	vld.idx.msk [tilespmem:v7+s16+$0x0], $0xffff  }
0x2a: {  	v9 =	vld.idx.msk [tilespmem:v4+s19+$0x0], $0xffff  }
0x2b: {  	v16 =	vimm.f32 $0.0e+00;
	v19 =	vimm.f32 $0.0e+00;
	v22 =	vimm.f32 $0.0e+00;
	v6 =	vld.idx.msk [tilespmem:v7+s17+$0x0], $0xffff  }
0x2c: {  	v14 =	vimm.f32 $0.0e+00;
	v10 =	vmul.u32 $0x60, v1;
	v1 =	vmul.u32 $0x60, v2;
	v13 =	vld.idx.msk [tilespmem:v7+s18+$0x0], $0xffff  }
0x2d: {  	v18 =	vimm.f32 $0.0e+00;
	v17 =	vimm.f32 $0.0e+00;
	v20 =	vimm.f32 $0.0e+00;
	v23 =	vld.idx.msk [tilespmem:v7+s2+$0x0], $0xffff  }
0x2e: {  	v12 =	vimm.f32 $0.0e+00;
	v7 =	vld.idx.msk [tilespmem:v4+s16+$0x0], $0xffff;
	v1 =	vor.u32 v0, v1;
	v2 =	vor.u32 v0, v10  }
0x2f: {  	v15 =	vld.idx.msk [tilespmem:v4+s2+$0x0], $0xffff;
	v10 =	vimm.f32 $0.0e+00;
	v24 =	vshll.u32 v11, $0x10;
	v27 =	vadd.f32 v5, v16  }
0x30: {  	s31 =	simm.s32 $0x800;
	s30 =	sshll.u32 s29, $0x4;
	v28 =	vshll.u32 v8, $0x10;
	v26 =	vadd.f32 v8, v16;
	v25 =	vadd.f32 v21, v16;
	v8 =	vld.idx.msk [tilespmem:v4+s17+$0x0], $0xffff  }
.LBB2_3:
0x31: {  	s0 =	sshra.s32 s31, $0x2;
	p0 =	sne.s32 s31, $0x18C00;
	s31 =	sadd.s32 $0x400, s31;
	v16 =	vadd.f32 v28, v16;
	v28 =	vshll.u32 v6, $0x10;
	v29 =	vld.idx.msk [tilespmem:v4+s18+$0x0], $0xffff;
	v27 =	vadd.f32 v9, v27;
	v4 =	vmovc v2  }
0x32: {  	v21 =	vshll.u32 v21, $0x10;
	v31 =	vshll.u32 v13, $0x10;
	v30 =	vld.idx.msk [tilespmem:v3+s0+$0x80 ss:$0x1], $0xffff;
	v26 =	vadd.f32 v11, v26  }
0x33: {  	v33 =	vshll.u32 v23, $0x10;
	v19 =	vadd.f32 v23, v19;
	v32 =	vld.idx.msk [tilespmem:v3+s0+$0x0 ss:$0x1], $0xffff;
	v16 =	vadd.f32 v24, v16  }
0x34: {  	v22 =	vadd.f32 v21, v22;
	v21 =	vshll.u32 v5, $0x10;
	v25 =	vadd.f32 v7, v25;
	v34 =	vld.idx.msk [tilespmem:v1+s15+$0x0], $0xffff  }
0x35: {  	v13 =	vadd.f32 v13, v18;
	v14 =	vadd.f32 v28, v14;
	v18 =	vshll.u32 v8, $0x10;
	v2 =	vld.idx.msk [tilespmem:v2+s19+$0x0], $0xffff  }
0x36: {  	v17 =	vadd.f32 v6, v17;
	v9 =	vshll.u32 v9, $0x10;
	v19 =	vadd.f32 v15, v19;
	v11 =	vld.idx.msk [tilespmem:v4+s15+$0x0], $0xffff  }
0x37: {  	v20 =	vadd.f32 v21, v20;
	v14 =	vadd.f32 v18, v14;
	v23 =	vshll.u32 v29, $0x10;
	v5 =	vld.idx.msk [tilespmem:v1+s19+$0x0], $0xffff  }
0x38: {  	v12 =	vadd.f32 v31, v12;
	v7 =	vshll.u32 v7, $0x10;
	v18 =	vadd.f32 v29, v13;
	v21 =	vld.idx.msk [tilespmem:v1+s16+$0x0], $0xffff  }
0x39: {  	v10 =	vadd.f32 v33, v10;
	v17 =	vadd.f32 v8, v17;
	v15 =	vshll.u32 v15, $0x10;
	v6 =	vld.idx.msk [tilespmem:v1+s17+$0x0], $0xffff  }
.Ltmp0:
0x3a: {  	v22 =	vadd.f32 v7, v22;
	v8 =	vmul.u32 $0x60, v30;
	v12 =	vadd.f32 v23, v12;
	v13 =	vld.idx.msk [tilespmem:v1+s18+$0x0], $0xffff;
	(pc) =	sbr.rel @p0 .LBB2_3-.Ltmp0, $4  }
0x3b: {  	v20 =	vadd.f32 v9, v20;
	v10 =	vadd.f32 v15, v10;
	v28 =	vmul.u32 $0x60, v32;
	v9 =	vmovc v2;
	v23 =	vld.idx.msk [tilespmem:v1+s2+$0x0], $0xffff  }
0x3c: {  	v24 =	vshll.u32 v11, $0x10;
	v7 =	vld.idx.msk [tilespmem:v4+s16+$0x0], $0xffff  }
0x3d: {  	v2 =	vor.u32 v0, v8;
	v1 =	vor.u32 v0, v28;
	v27 =	vadd.f32 v5, v27;
	v8 =	vld.idx.msk [tilespmem:v4+s17+$0x0], $0xffff  }
0x3e: {  	v26 =	vadd.f32 v34, v26;
	v28 =	vshll.u32 v34, $0x10;
	v25 =	vadd.f32 v21, v25;
	v15 =	vld.idx.msk [tilespmem:v4+s2+$0x0], $0xffff  }
0x3f: {  	_ =	sdelay $0x3  }
0x40: {  	v3 =	vadd.f32 v28, v16;
	v62 =	vshll.u32 v6, $0x10;
	v27 =	vadd.f32 v9, v27;
	v4 =	vld.idx.msk [tilespmem:v4+s18+$0x0], $0xffff  }
0x41: {  	v21 =	vshll.u32 v21, $0x10;
	v29 =	vld.idx.msk [tilespmem:v1+s15+$0x0], $0xffff;
	v31 =	vadd.f32 v13, v18;
	v34 =	vadd.f32 v6, v17  }
0x42: {  	v63 =	vshll.u32 v13, $0x10;
	v32 =	vld.idx.msk [tilespmem:v2+s15+$0x0], $0xffff;
	v11 =	vadd.f32 v11, v26;
	v19 =	vadd.f32 v23, v19  }
0x43: {  	v5 =	vshll.u32 v5, $0x10;
	v36 =	vld.idx.msk [tilespmem:v1+s19+$0x0], $0xffff;
	v21 =	vadd.f32 v21, v22;
	v14 =	vadd.f32 v62, v14  }
0x44: {  	v37 =	vshll.u32 v9, $0x10;
	v38 =	vld.idx.msk [tilespmem:v1+s16+$0x0], $0xffff;
	v5 =	vadd.f32 v5, v20;
	v12 =	vadd.f32 v63, v12  }
0x45: {  	v40 =	vld.idx.msk [tilespmem:v1+s2+$0x0], $0xffff;
	v28 =	vshll.u32 v23, $0x10;
	v3 =	vadd.f32 v24, v3;
	v30 =	vadd.f32 v7, v25  }
0x46: {  	v42 =	vld.idx.msk [tilespmem:v1+s17+$0x0], $0xffff;
	v41 =	vshll.u32 v7, $0x10;
	v10 =	vadd.f32 v28, v10;
	v6 =	vadd.f32 v8, v34  }
0x47: {  	v44 =	vld.idx.msk [tilespmem:v2+s2+$0x0], $0xffff;
	v33 =	vshll.u32 v8, $0x10;
	v7 =	vadd.f32 v41, v21;
	v5 =	vadd.f32 v37, v5  }
0x48: {  	v1 =	vld.idx.msk [tilespmem:v1+s18+$0x0], $0xffff;
	v35 =	vadd.f32 v15, v19;
	v14 =	vadd.f32 v33, v14;
	v43 =	vshll.u32 v15, $0x10  }
0x49: {  	v48 =	vld.idx.msk [tilespmem:v2+s16+$0x0], $0xffff;
	v39 =	vshll.u32 v4, $0x10;
	v4 =	vadd.f32 v4, v31;
	v8 =	vadd.f32 v43, v10  }
0x4a: {  	v52 =	vld.idx.msk [tilespmem:v2+s17+$0x0], $0xffff;
	v45 =	vshll.u32 v32, $0x10;
	v46 =	vadd.f32 v36, v27;
	v47 =	vshll.u32 v29, $0x10  }
0x4b: {  	v11 =	vadd.f32 v29, v11;
	v22 =	vadd.f32 v38, v30;
	v49 =	vshll.u32 v40, $0x10  }
0x4c: {  	v50 =	vshll.u32 v42, $0x10;
	v51 =	vshll.u32 v44, $0x10;
	v18 =	vshll.u32 v38, $0x10  }
0x4d: {  	v53 =	vshll.u32 v1, $0x10;
	v55 =	vshll.u32 v36, $0x10;
	v6 =	vadd.f32 v42, v6  }
0x4e: {  	v57 =	vshll.u32 v48, $0x10;
	v12 =	vadd.f32 v39, v12;
	v11 =	vadd.f32 v32, v11  }
0x4f: {  	v59 =	vshll.u32 v52, $0x10;
	v3 =	vadd.f32 v47, v3;
	v56 =	vadd.f32 v48, v22  }
0x50: {  	v13 =	vadd.f32 v40, v35;
	v6 =	vadd.f32 v52, v6;
	v60 =	vmul.f32 $4.999999890e-03, v11  }
0x51: {  	v54 =	vld.idx.msk [tilespmem:v2+s18+$0x0], $0xffff;
	v7 =	vadd.f32 v18, v7;
	v3 =	vadd.f32 v45, v3;
	v62 =	vmul.f32 $4.999999890e-03, v56  }
0x52: {  	v2 =	vld.idx.msk [tilespmem:v2+s19+$0x0], $0xffff;
	v8 =	vadd.f32 v49, v8;
	v13 =	vadd.f32 v44, v13;
	v6 =	vmul.f32 $4.999999890e-03, v6;
	[tilespmem:s30+$0x18980] =	vst v60  }
0x53: {  	v14 =	vadd.f32 v50, v14;
	v58 =	vadd.f32 v57, v7;
	v3 =	vmul.f32 $4.999999890e-03, v3;
	[tilespmem:s30+$0x18A80] =	vst v62  }
0x54: {  	v1 =	vadd.f32 v1, v4;
	v8 =	vadd.f32 v51, v8;
	v13 =	vmul.f32 $4.999999890e-03, v13;
	[tilespmem:s30+$0x18B80] =	vst v6  }
0x55: {  	v7 =	vadd.f32 v59, v14;
	v9 =	vadd.f32 v53, v12;
	[tilespmem:s30+$0x18900] =	vst v3;
	v3 =	vmul.f32 $4.999999890e-03, v58  }
0x56: {  	v61 =	vshll.u32 v54, $0x10;
	v1 =	vadd.f32 v54, v1;
	v8 =	vmul.f32 $4.999999890e-03, v8;
	[tilespmem:s30+$0x18880] =	vst v13  }
0x57: {  	s29 =	sadd.s32 $0x1, s29;
	v5 =	vadd.f32 v55, v5;
	v4 =	vadd.f32 v61, v9;
	[tilespmem:s30+$0x18A00] =	vst v3;
	v3 =	vmul.f32 $4.999999890e-03, v7  }
0x58: {  	p0 =	sne.s32 s29, $0x8;
	v63 =	vshll.u32 v2, $0x10;
	v2 =	vadd.f32 v2, v46;
	v1 =	vmul.f32 $4.999999890e-03, v1;
	[tilespmem:s30+$0x18800] =	vst v8  }
.Ltmp1:
0x59: {  	v5 =	vadd.f32 v63, v5;
	[tilespmem:s30+$0x18B00] =	vst v3;
	v3 =	vmul.f32 $4.999999890e-03, v4;
	(pc) =	sbr.rel @p0 .LBB2_2-.Ltmp1, $4  }
0x5a: {  	[tilespmem:s30+$0x19880] =	vst v1;
	v1 =	vmul.f32 $4.999999890e-03, v2  }
0x5b: {  	[tilespmem:s30+$0x19800] =	vst v3;
	v3 =	vmul.f32 $4.999999890e-03, v5  }
0x5c: {  	[tilespmem:s30+$0x19980] =	vst v1  }
0x5d: {  	s28 =	sadd.s32 $0x10, s28;
	[tilespmem:s30+$0x19900] =	vst v3  }
0x5e: {  	[tilespmem:s20], [sflag:$0x3] =	stream.strided.gather [hbm4b:s6+s10], $0x6400, s11, s10, $0x38;
	[tilespmem:$0x1A800] =	vst v63  }
0x5f: {  	_ =	swait.ge [sflag:s21], $0x6400  }
0x60: {  	[sflag:s21] =	ssyncset.done $0x0  }
0x61: {  	s28 =	simm.s32 $0x0;
	s29 =	simm.s32 $0x12400;
	[sflag:s21] =	ssyncadd.s32 $0xFFFF9C00  }
.LBB2_6:
0x62: {  	v3 =	vmov s29;
	_ =	sdelay $0x3  }
0x63: {  	s0 =	simm.s32 $0x0  }
0x64: {  	v1 =	vld.idx.msk [tilespmem:v3+s0+$0x0 ss:$0x1], $0xffff  }
0x65: {  	v2 =	vld.idx.msk [tilespmem:v3+s0+$0x80 ss:$0x1], $0xffff;
	_ =	sdelay $0x3  }
0x66: {  	v1 =	vmul.u32 $0x60, v1  }
0x67: {  	v2 =	vmul.u32 $0x60, v2  }
0x68: {  	v7 =	vor.u32 v0, v1  }
0x69: {  	v4 =	vor.u32 v0, v2  }
0x6a: {  	s0 =	simm.s32 $0x100  }
0x6b: {  	v1 =	vld.idx.msk [tilespmem:v3+s0+$0x80 ss:$0x1], $0xffff  }
0x6c: {  	v2 =	vld.idx.msk [tilespmem:v3+s0+$0x0 ss:$0x1], $0xffff  }
0x6d: {  	v8 =	vld.idx.msk [tilespmem:v7+s15+$0x0], $0xffff  }
0x6e: {  	v11 =	vld.idx.msk [tilespmem:v4+s15+$0x0], $0xffff  }
0x6f: {  	v5 =	vld.idx.msk [tilespmem:v7+s19+$0x0], $0xffff  }
0x70: {  	v21 =	vld.idx.msk [tilespmem:v7+s16+$0x0], $0xffff  }
0x71: {  	v9 =	vld.idx.msk [tilespmem:v4+s19+$0x0], $0xffff  }
0x72: {  	v16 =	vimm.f32 $0.0e+00;
	v19 =	vimm.f32 $0.0e+00;
	v22 =	vimm.f32 $0.0e+00;
	v6 =	vld.idx.msk [tilespmem:v7+s17+$0x0], $0xffff  }
0x73: {  	v14 =	vimm.f32 $0.0e+00;
	v10 =	vmul.u32 $0x60, v1;
	v1 =	vmul.u32 $0x60, v2;
	v13 =	vld.idx.msk [tilespmem:v7+s18+$0x0], $0xffff  }
0x74: {  	v18 =	vimm.f32 $0.0e+00;
	v17 =	vimm.f32 $0.0e+00;
	v20 =	vimm.f32 $0.0e+00;
	v23 =	vld.idx.msk [tilespmem:v7+s2+$0x0], $0xffff  }
0x75: {  	v12 =	vimm.f32 $0.0e+00;
	v7 =	vld.idx.msk [tilespmem:v4+s16+$0x0], $0xffff;
	v1 =	vor.u32 v0, v1;
	v2 =	vor.u32 v0, v10  }
0x76: {  	v15 =	vld.idx.msk [tilespmem:v4+s2+$0x0], $0xffff;
	v10 =	vimm.f32 $0.0e+00;
	v24 =	vshll.u32 v11, $0x10;
	v27 =	vadd.f32 v5, v16  }
0x77: {  	s30 =	sshll.u32 s28, $0x4;
	s31 =	simm.s32 $0x800;
	v28 =	vshll.u32 v8, $0x10;
	v26 =	vadd.f32 v8, v16;
	v25 =	vadd.f32 v21, v16;
	v8 =	vld.idx.msk [tilespmem:v4+s17+$0x0], $0xffff  }
.LBB2_7:
0x78: {  	s0 =	sshra.s32 s31, $0x2;
	p0 =	sne.s32 s31, $0x18C00;
	s31 =	sadd.s32 $0x400, s31;
	v16 =	vadd.f32 v28, v16;
	v28 =	vshll.u32 v6, $0x10;
	v29 =	vld.idx.msk [tilespmem:v4+s18+$0x0], $0xffff;
	v27 =	vadd.f32 v9, v27;
	v4 =	vmovc v2  }
0x79: {  	v21 =	vshll.u32 v21, $0x10;
	v31 =	vshll.u32 v13, $0x10;
	v30 =	vld.idx.msk [tilespmem:v3+s0+$0x80 ss:$0x1], $0xffff;
	v26 =	vadd.f32 v11, v26  }
0x7a: {  	v33 =	vshll.u32 v23, $0x10;
	v19 =	vadd.f32 v23, v19;
	v32 =	vld.idx.msk [tilespmem:v3+s0+$0x0 ss:$0x1], $0xffff;
	v16 =	vadd.f32 v24, v16  }
0x7b: {  	v22 =	vadd.f32 v21, v22;
	v21 =	vshll.u32 v5, $0x10;
	v25 =	vadd.f32 v7, v25;
	v34 =	vld.idx.msk [tilespmem:v1+s15+$0x0], $0xffff  }
0x7c: {  	v13 =	vadd.f32 v13, v18;
	v14 =	vadd.f32 v28, v14;
	v18 =	vshll.u32 v8, $0x10;
	v2 =	vld.idx.msk [tilespmem:v2+s19+$0x0], $0xffff  }
0x7d: {  	v17 =	vadd.f32 v6, v17;
	v9 =	vshll.u32 v9, $0x10;
	v19 =	vadd.f32 v15, v19;
	v11 =	vld.idx.msk [tilespmem:v4+s15+$0x0], $0xffff  }
0x7e: {  	v20 =	vadd.f32 v21, v20;
	v14 =	vadd.f32 v18, v14;
	v23 =	vshll.u32 v29, $0x10;
	v5 =	vld.idx.msk [tilespmem:v1+s19+$0x0], $0xffff  }
0x7f: {  	v12 =	vadd.f32 v31, v12;
	v7 =	vshll.u32 v7, $0x10;
	v18 =	vadd.f32 v29, v13;
	v21 =	vld.idx.msk [tilespmem:v1+s16+$0x0], $0xffff  }
0x80: {  	v10 =	vadd.f32 v33, v10;
	v17 =	vadd.f32 v8, v17;
	v15 =	vshll.u32 v15, $0x10;
	v6 =	vld.idx.msk [tilespmem:v1+s17+$0x0], $0xffff  }
.Ltmp2:
0x81: {  	v22 =	vadd.f32 v7, v22;
	v8 =	vmul.u32 $0x60, v30;
	v12 =	vadd.f32 v23, v12;
	v13 =	vld.idx.msk [tilespmem:v1+s18+$0x0], $0xffff;
	(pc) =	sbr.rel @p0 .LBB2_7-.Ltmp2, $4  }
0x82: {  	v20 =	vadd.f32 v9, v20;
	v10 =	vadd.f32 v15, v10;
	v28 =	vmul.u32 $0x60, v32;
	v9 =	vmovc v2;
	v23 =	vld.idx.msk [tilespmem:v1+s2+$0x0], $0xffff  }
0x83: {  	v24 =	vshll.u32 v11, $0x10;
	v7 =	vld.idx.msk [tilespmem:v4+s16+$0x0], $0xffff  }
0x84: {  	v2 =	vor.u32 v0, v8;
	v1 =	vor.u32 v0, v28;
	v27 =	vadd.f32 v5, v27;
	v8 =	vld.idx.msk [tilespmem:v4+s17+$0x0], $0xffff  }
0x85: {  	v26 =	vadd.f32 v34, v26;
	v28 =	vshll.u32 v34, $0x10;
	v25 =	vadd.f32 v21, v25;
	v15 =	vld.idx.msk [tilespmem:v4+s2+$0x0], $0xffff  }
0x86: {  	_ =	sdelay $0x3  }
0x87: {  	v3 =	vadd.f32 v28, v16;
	v62 =	vshll.u32 v6, $0x10;
	v27 =	vadd.f32 v9, v27;
	v4 =	vld.idx.msk [tilespmem:v4+s18+$0x0], $0xffff  }
0x88: {  	v21 =	vshll.u32 v21, $0x10;
	v29 =	vld.idx.msk [tilespmem:v1+s15+$0x0], $0xffff;
	v31 =	vadd.f32 v13, v18;
	v34 =	vadd.f32 v6, v17  }
0x89: {  	v63 =	vshll.u32 v13, $0x10;
	v32 =	vld.idx.msk [tilespmem:v2+s15+$0x0], $0xffff;
	v11 =	vadd.f32 v11, v26;
	v19 =	vadd.f32 v23, v19  }
0x8a: {  	v5 =	vshll.u32 v5, $0x10;
	v36 =	vld.idx.msk [tilespmem:v1+s19+$0x0], $0xffff;
	v21 =	vadd.f32 v21, v22;
	v14 =	vadd.f32 v62, v14  }
0x8b: {  	v37 =	vshll.u32 v9, $0x10;
	v38 =	vld.idx.msk [tilespmem:v1+s16+$0x0], $0xffff;
	v5 =	vadd.f32 v5, v20;
	v12 =	vadd.f32 v63, v12  }
0x8c: {  	v40 =	vld.idx.msk [tilespmem:v1+s2+$0x0], $0xffff;
	v28 =	vshll.u32 v23, $0x10;
	v3 =	vadd.f32 v24, v3;
	v30 =	vadd.f32 v7, v25  }
0x8d: {  	v42 =	vld.idx.msk [tilespmem:v1+s17+$0x0], $0xffff;
	v41 =	vshll.u32 v7, $0x10;
	v10 =	vadd.f32 v28, v10;
	v6 =	vadd.f32 v8, v34  }
0x8e: {  	v44 =	vld.idx.msk [tilespmem:v2+s2+$0x0], $0xffff;
	v33 =	vshll.u32 v8, $0x10;
	v7 =	vadd.f32 v41, v21;
	v5 =	vadd.f32 v37, v5  }
0x8f: {  	v1 =	vld.idx.msk [tilespmem:v1+s18+$0x0], $0xffff;
	v35 =	vadd.f32 v15, v19;
	v14 =	vadd.f32 v33, v14;
	v43 =	vshll.u32 v15, $0x10  }
0x90: {  	v48 =	vld.idx.msk [tilespmem:v2+s16+$0x0], $0xffff;
	v39 =	vshll.u32 v4, $0x10;
	v4 =	vadd.f32 v4, v31;
	v8 =	vadd.f32 v43, v10  }
0x91: {  	v52 =	vld.idx.msk [tilespmem:v2+s17+$0x0], $0xffff;
	v45 =	vshll.u32 v32, $0x10;
	v46 =	vadd.f32 v36, v27;
	v47 =	vshll.u32 v29, $0x10  }
0x92: {  	v11 =	vadd.f32 v29, v11;
	v22 =	vadd.f32 v38, v30;
	v49 =	vshll.u32 v40, $0x10  }
0x93: {  	v50 =	vshll.u32 v42, $0x10;
	v51 =	vshll.u32 v44, $0x10;
	v18 =	vshll.u32 v38, $0x10  }
0x94: {  	v53 =	vshll.u32 v1, $0x10;
	v55 =	vshll.u32 v36, $0x10;
	v6 =	vadd.f32 v42, v6  }
0x95: {  	v57 =	vshll.u32 v48, $0x10;
	v12 =	vadd.f32 v39, v12;
	v11 =	vadd.f32 v32, v11  }
0x96: {  	v59 =	vshll.u32 v52, $0x10;
	v3 =	vadd.f32 v47, v3;
	v56 =	vadd.f32 v48, v22  }
0x97: {  	v13 =	vadd.f32 v40, v35;
	v6 =	vadd.f32 v52, v6;
	v60 =	vmul.f32 $4.999999890e-03, v11  }
0x98: {  	v54 =	vld.idx.msk [tilespmem:v2+s18+$0x0], $0xffff;
	v7 =	vadd.f32 v18, v7;
	v3 =	vadd.f32 v45, v3;
	v62 =	vmul.f32 $4.999999890e-03, v56  }
0x99: {  	v2 =	vld.idx.msk [tilespmem:v2+s19+$0x0], $0xffff;
	v8 =	vadd.f32 v49, v8;
	v13 =	vadd.f32 v44, v13;
	v6 =	vmul.f32 $4.999999890e-03, v6;
	[tilespmem:s30+$0x18D80] =	vst v60  }
0x9a: {  	v14 =	vadd.f32 v50, v14;
	v58 =	vadd.f32 v57, v7;
	v3 =	vmul.f32 $4.999999890e-03, v3;
	[tilespmem:s30+$0x18E80] =	vst v62  }
0x9b: {  	v1 =	vadd.f32 v1, v4;
	v8 =	vadd.f32 v51, v8;
	v13 =	vmul.f32 $4.999999890e-03, v13;
	[tilespmem:s30+$0x18F80] =	vst v6  }
0x9c: {  	v7 =	vadd.f32 v59, v14;
	v9 =	vadd.f32 v53, v12;
	[tilespmem:s30+$0x18D00] =	vst v3;
	v3 =	vmul.f32 $4.999999890e-03, v58  }
0x9d: {  	v61 =	vshll.u32 v54, $0x10;
	v1 =	vadd.f32 v54, v1;
	v8 =	vmul.f32 $4.999999890e-03, v8;
	[tilespmem:s30+$0x18C80] =	vst v13  }
0x9e: {  	s28 =	sadd.s32 $0x1, s28;
	v5 =	vadd.f32 v55, v5;
	v4 =	vadd.f32 v61, v9;
	[tilespmem:s30+$0x18E00] =	vst v3;
	v3 =	vmul.f32 $4.999999890e-03, v7  }
0x9f: {  	p0 =	sne.s32 s28, $0x8;
	v63 =	vshll.u32 v2, $0x10;
	v2 =	vadd.f32 v2, v46;
	v1 =	vmul.f32 $4.999999890e-03, v1;
	[tilespmem:s30+$0x18C00] =	vst v8  }
.Ltmp3:
0xa0: {  	v5 =	vadd.f32 v63, v5;
	[tilespmem:s30+$0x18F00] =	vst v3;
	v3 =	vmul.f32 $4.999999890e-03, v4;
	(pc) =	sbr.rel @p0 .LBB2_6-.Ltmp3, $4  }
0xa1: {  	[tilespmem:s30+$0x19C80] =	vst v1;
	v1 =	vmul.f32 $4.999999890e-03, v2  }
0xa2: {  	[tilespmem:s30+$0x19C00] =	vst v3;
	v3 =	vmul.f32 $4.999999890e-03, v5  }
0xa3: {  	[tilespmem:s30+$0x19D80] =	vst v1  }
0xa4: {  	s29 =	sadd.s32 $0x10, s29;
	[tilespmem:s30+$0x19D00] =	vst v3  }
0xa5: {  	[tilespmem:s12], [sflag:$0x4] =	stream.strided.gather [hbm4b:s7+s10], $0x6400, s11, s10, $0x38;
	[tilespmem:$0x1A800] =	vst v63  }
0xa6: {  	_ =	swait.ge [sflag:s22], $0x6400  }
0xa7: {  	[sflag:s22] =	ssyncset.done $0x0  }
0xa8: {  	s28 =	simm.s32 $0x0;
	s29 =	simm.s32 $0xC000;
	[sflag:s22] =	ssyncadd.s32 $0xFFFF9C00  }
.LBB2_10:
0xa9: {  	v3 =	vmov s29;
	_ =	sdelay $0x3  }
0xaa: {  	s0 =	simm.s32 $0x0  }
0xab: {  	v1 =	vld.idx.msk [tilespmem:v3+s0+$0x0 ss:$0x1], $0xffff  }
0xac: {  	v2 =	vld.idx.msk [tilespmem:v3+s0+$0x80 ss:$0x1], $0xffff;
	_ =	sdelay $0x3  }
0xad: {  	v1 =	vmul.u32 $0x60, v1  }
0xae: {  	v2 =	vmul.u32 $0x60, v2  }
0xaf: {  	v7 =	vor.u32 v0, v1  }
0xb0: {  	v4 =	vor.u32 v0, v2  }
0xb1: {  	s0 =	simm.s32 $0x100  }
0xb2: {  	v1 =	vld.idx.msk [tilespmem:v3+s0+$0x80 ss:$0x1], $0xffff  }
0xb3: {  	v2 =	vld.idx.msk [tilespmem:v3+s0+$0x0 ss:$0x1], $0xffff  }
0xb4: {  	v8 =	vld.idx.msk [tilespmem:v7+s15+$0x0], $0xffff  }
0xb5: {  	v11 =	vld.idx.msk [tilespmem:v4+s15+$0x0], $0xffff  }
0xb6: {  	v5 =	vld.idx.msk [tilespmem:v7+s19+$0x0], $0xffff  }
0xb7: {  	v21 =	vld.idx.msk [tilespmem:v7+s16+$0x0], $0xffff  }
0xb8: {  	v9 =	vld.idx.msk [tilespmem:v4+s19+$0x0], $0xffff  }
0xb9: {  	v16 =	vimm.f32 $0.0e+00;
	v19 =	vimm.f32 $0.0e+00;
	v22 =	vimm.f32 $0.0e+00;
	v6 =	vld.idx.msk [tilespmem:v7+s17+$0x0], $0xffff  }
0xba: {  	v14 =	vimm.f32 $0.0e+00;
	v10 =	vmul.u32 $0x60, v1;
	v1 =	vmul.u32 $0x60, v2;
	v13 =	vld.idx.msk [tilespmem:v7+s18+$0x0], $0xffff  }
0xbb: {  	v18 =	vimm.f32 $0.0e+00;
	v17 =	vimm.f32 $0.0e+00;
	v20 =	vimm.f32 $0.0e+00;
	v23 =	vld.idx.msk [tilespmem:v7+s2+$0x0], $0xffff  }
0xbc: {  	v12 =	vimm.f32 $0.0e+00;
	v7 =	vld.idx.msk [tilespmem:v4+s16+$0x0], $0xffff;
	v1 =	vor.u32 v0, v1;
	v2 =	vor.u32 v0, v10  }
0xbd: {  	v15 =	vld.idx.msk [tilespmem:v4+s2+$0x0], $0xffff;
	v10 =	vimm.f32 $0.0e+00;
	v24 =	vshll.u32 v11, $0x10;
	v27 =	vadd.f32 v5, v16  }
0xbe: {  	s30 =	sshll.u32 s28, $0x4;
	s31 =	simm.s32 $0x800;
	v28 =	vshll.u32 v8, $0x10;
	v26 =	vadd.f32 v8, v16;
	v25 =	vadd.f32 v21, v16;
	v8 =	vld.idx.msk [tilespmem:v4+s17+$0x0], $0xffff  }
.LBB2_11:
0xbf: {  	s0 =	sshra.s32 s31, $0x2;
	p0 =	sne.s32 s31, $0x18C00;
	s31 =	sadd.s32 $0x400, s31;
	v16 =	vadd.f32 v28, v16;
	v28 =	vshll.u32 v6, $0x10;
	v29 =	vld.idx.msk [tilespmem:v4+s18+$0x0], $0xffff;
	v27 =	vadd.f32 v9, v27;
	v4 =	vmovc v2  }
0xc0: {  	v21 =	vshll.u32 v21, $0x10;
	v31 =	vshll.u32 v13, $0x10;
	v30 =	vld.idx.msk [tilespmem:v3+s0+$0x80 ss:$0x1], $0xffff;
	v26 =	vadd.f32 v11, v26  }
0xc1: {  	v33 =	vshll.u32 v23, $0x10;
	v19 =	vadd.f32 v23, v19;
	v32 =	vld.idx.msk [tilespmem:v3+s0+$0x0 ss:$0x1], $0xffff;
	v16 =	vadd.f32 v24, v16  }
0xc2: {  	v22 =	vadd.f32 v21, v22;
	v21 =	vshll.u32 v5, $0x10;
	v25 =	vadd.f32 v7, v25;
	v34 =	vld.idx.msk [tilespmem:v1+s15+$0x0], $0xffff  }
0xc3: {  	v13 =	vadd.f32 v13, v18;
	v14 =	vadd.f32 v28, v14;
	v18 =	vshll.u32 v8, $0x10;
	v2 =	vld.idx.msk [tilespmem:v2+s19+$0x0], $0xffff  }
0xc4: {  	v17 =	vadd.f32 v6, v17;
	v9 =	vshll.u32 v9, $0x10;
	v19 =	vadd.f32 v15, v19;
	v11 =	vld.idx.msk [tilespmem:v4+s15+$0x0], $0xffff  }
0xc5: {  	v20 =	vadd.f32 v21, v20;
	v14 =	vadd.f32 v18, v14;
	v23 =	vshll.u32 v29, $0x10;
	v5 =	vld.idx.msk [tilespmem:v1+s19+$0x0], $0xffff  }
0xc6: {  	v12 =	vadd.f32 v31, v12;
	v7 =	vshll.u32 v7, $0x10;
	v18 =	vadd.f32 v29, v13;
	v21 =	vld.idx.msk [tilespmem:v1+s16+$0x0], $0xffff  }
0xc7: {  	v10 =	vadd.f32 v33, v10;
	v17 =	vadd.f32 v8, v17;
	v15 =	vshll.u32 v15, $0x10;
	v6 =	vld.idx.msk [tilespmem:v1+s17+$0x0], $0xffff  }
.Ltmp4:
0xc8: {  	v22 =	vadd.f32 v7, v22;
	v8 =	vmul.u32 $0x60, v30;
	v12 =	vadd.f32 v23, v12;
	v13 =	vld.idx.msk [tilespmem:v1+s18+$0x0], $0xffff;
	(pc) =	sbr.rel @p0 .LBB2_11-.Ltmp4, $4  }
0xc9: {  	v20 =	vadd.f32 v9, v20;
	v10 =	vadd.f32 v15, v10;
	v28 =	vmul.u32 $0x60, v32;
	v9 =	vmovc v2;
	v23 =	vld.idx.msk [tilespmem:v1+s2+$0x0], $0xffff  }
0xca: {  	v24 =	vshll.u32 v11, $0x10;
	v7 =	vld.idx.msk [tilespmem:v4+s16+$0x0], $0xffff  }
0xcb: {  	v2 =	vor.u32 v0, v8;
	v1 =	vor.u32 v0, v28;
	v27 =	vadd.f32 v5, v27;
	v8 =	vld.idx.msk [tilespmem:v4+s17+$0x0], $0xffff  }
0xcc: {  	v26 =	vadd.f32 v34, v26;
	v28 =	vshll.u32 v34, $0x10;
	v25 =	vadd.f32 v21, v25;
	v15 =	vld.idx.msk [tilespmem:v4+s2+$0x0], $0xffff  }
0xcd: {  	_ =	sdelay $0x3  }
0xce: {  	v3 =	vadd.f32 v28, v16;
	v62 =	vshll.u32 v6, $0x10;
	v27 =	vadd.f32 v9, v27;
	v4 =	vld.idx.msk [tilespmem:v4+s18+$0x0], $0xffff  }
0xcf: {  	v21 =	vshll.u32 v21, $0x10;
	v29 =	vld.idx.msk [tilespmem:v1+s15+$0x0], $0xffff;
	v31 =	vadd.f32 v13, v18;
	v34 =	vadd.f32 v6, v17  }
0xd0: {  	v63 =	vshll.u32 v13, $0x10;
	v32 =	vld.idx.msk [tilespmem:v2+s15+$0x0], $0xffff;
	v11 =	vadd.f32 v11, v26;
	v19 =	vadd.f32 v23, v19  }
0xd1: {  	v5 =	vshll.u32 v5, $0x10;
	v36 =	vld.idx.msk [tilespmem:v1+s19+$0x0], $0xffff;
	v21 =	vadd.f32 v21, v22;
	v14 =	vadd.f32 v62, v14  }
0xd2: {  	v37 =	vshll.u32 v9, $0x10;
	v38 =	vld.idx.msk [tilespmem:v1+s16+$0x0], $0xffff;
	v5 =	vadd.f32 v5, v20;
	v12 =	vadd.f32 v63, v12  }
0xd3: {  	v40 =	vld.idx.msk [tilespmem:v1+s2+$0x0], $0xffff;
	v28 =	vshll.u32 v23, $0x10;
	v3 =	vadd.f32 v24, v3;
	v30 =	vadd.f32 v7, v25  }
0xd4: {  	v42 =	vld.idx.msk [tilespmem:v1+s17+$0x0], $0xffff;
	v41 =	vshll.u32 v7, $0x10;
	v10 =	vadd.f32 v28, v10;
	v6 =	vadd.f32 v8, v34  }
0xd5: {  	v44 =	vld.idx.msk [tilespmem:v2+s2+$0x0], $0xffff;
	v33 =	vshll.u32 v8, $0x10;
	v7 =	vadd.f32 v41, v21;
	v5 =	vadd.f32 v37, v5  }
0xd6: {  	v1 =	vld.idx.msk [tilespmem:v1+s18+$0x0], $0xffff;
	v35 =	vadd.f32 v15, v19;
	v14 =	vadd.f32 v33, v14;
	v43 =	vshll.u32 v15, $0x10  }
0xd7: {  	v48 =	vld.idx.msk [tilespmem:v2+s16+$0x0], $0xffff;
	v39 =	vshll.u32 v4, $0x10;
	v4 =	vadd.f32 v4, v31;
	v8 =	vadd.f32 v43, v10  }
0xd8: {  	v52 =	vld.idx.msk [tilespmem:v2+s17+$0x0], $0xffff;
	v45 =	vshll.u32 v32, $0x10;
	v46 =	vadd.f32 v36, v27;
	v47 =	vshll.u32 v29, $0x10  }
0xd9: {  	v11 =	vadd.f32 v29, v11;
	v22 =	vadd.f32 v38, v30;
	v49 =	vshll.u32 v40, $0x10  }
0xda: {  	v50 =	vshll.u32 v42, $0x10;
	v51 =	vshll.u32 v44, $0x10;
	v18 =	vshll.u32 v38, $0x10  }
0xdb: {  	v53 =	vshll.u32 v1, $0x10;
	v55 =	vshll.u32 v36, $0x10;
	v6 =	vadd.f32 v42, v6  }
0xdc: {  	v57 =	vshll.u32 v48, $0x10;
	v12 =	vadd.f32 v39, v12;
	v11 =	vadd.f32 v32, v11  }
0xdd: {  	v59 =	vshll.u32 v52, $0x10;
	v3 =	vadd.f32 v47, v3;
	v56 =	vadd.f32 v48, v22  }
0xde: {  	v13 =	vadd.f32 v40, v35;
	v6 =	vadd.f32 v52, v6;
	v60 =	vmul.f32 $4.999999890e-03, v11  }
0xdf: {  	v54 =	vld.idx.msk [tilespmem:v2+s18+$0x0], $0xffff;
	v7 =	vadd.f32 v18, v7;
	v3 =	vadd.f32 v45, v3;
	v62 =	vmul.f32 $4.999999890e-03, v56  }
0xe0: {  	v2 =	vld.idx.msk [tilespmem:v2+s19+$0x0], $0xffff;
	v8 =	vadd.f32 v49, v8;
	v13 =	vadd.f32 v44, v13;
	v6 =	vmul.f32 $4.999999890e-03, v6;
	[tilespmem:s30+$0x19180] =	vst v60  }
0xe1: {  	v14 =	vadd.f32 v50, v14;
	v58 =	vadd.f32 v57, v7;
	v3 =	vmul.f32 $4.999999890e-03, v3;
	[tilespmem:s30+$0x19280] =	vst v62  }
0xe2: {  	v1 =	vadd.f32 v1, v4;
	v8 =	vadd.f32 v51, v8;
	v13 =	vmul.f32 $4.999999890e-03, v13;
	[tilespmem:s30+$0x19380] =	vst v6  }
0xe3: {  	v7 =	vadd.f32 v59, v14;
	v9 =	vadd.f32 v53, v12;
	[tilespmem:s30+$0x19100] =	vst v3;
	v3 =	vmul.f32 $4.999999890e-03, v58  }
0xe4: {  	v61 =	vshll.u32 v54, $0x10;
	v1 =	vadd.f32 v54, v1;
	v8 =	vmul.f32 $4.999999890e-03, v8;
	[tilespmem:s30+$0x19080] =	vst v13  }
0xe5: {  	s28 =	sadd.s32 $0x1, s28;
	v5 =	vadd.f32 v55, v5;
	v4 =	vadd.f32 v61, v9;
	[tilespmem:s30+$0x19200] =	vst v3;
	v3 =	vmul.f32 $4.999999890e-03, v7  }
0xe6: {  	p0 =	sne.s32 s28, $0x8;
	v63 =	vshll.u32 v2, $0x10;
	v2 =	vadd.f32 v2, v46;
	v1 =	vmul.f32 $4.999999890e-03, v1;
	[tilespmem:s30+$0x19000] =	vst v8  }
.Ltmp5:
0xe7: {  	v5 =	vadd.f32 v63, v5;
	[tilespmem:s30+$0x19300] =	vst v3;
	v3 =	vmul.f32 $4.999999890e-03, v4;
	(pc) =	sbr.rel @p0 .LBB2_10-.Ltmp5, $4  }
0xe8: {  	[tilespmem:s30+$0x1A080] =	vst v1;
	v1 =	vmul.f32 $4.999999890e-03, v2  }
0xe9: {  	[tilespmem:s30+$0x1A000] =	vst v3;
	v3 =	vmul.f32 $4.999999890e-03, v5  }
0xea: {  	[tilespmem:s30+$0x1A180] =	vst v1  }
0xeb: {  	s29 =	sadd.s32 $0x10, s29;
	[tilespmem:s30+$0x1A100] =	vst v3  }
0xec: {  	_ =	swait.ge [sflag:s23], $0x6400  }
0xed: {  	[sflag:s23] =	ssyncset.done $0x0  }
0xee: {  	s28 =	simm.s32 $0x0;
	s29 =	simm.s32 $0x12400;
	[sflag:s23] =	ssyncadd.s32 $0xFFFF9C00  }
.LBB2_14:
0xef: {  	v3 =	vmov s29;
	_ =	sdelay $0x3  }
0xf0: {  	s0 =	simm.s32 $0x0  }
0xf1: {  	v1 =	vld.idx.msk [tilespmem:v3+s0+$0x0 ss:$0x1], $0xffff  }
0xf2: {  	v2 =	vld.idx.msk [tilespmem:v3+s0+$0x80 ss:$0x1], $0xffff;
	_ =	sdelay $0x3  }
0xf3: {  	v1 =	vmul.u32 $0x60, v1  }
0xf4: {  	v2 =	vmul.u32 $0x60, v2  }
0xf5: {  	v7 =	vor.u32 v0, v1  }
0xf6: {  	v4 =	vor.u32 v0, v2  }
0xf7: {  	s0 =	simm.s32 $0x100  }
0xf8: {  	v1 =	vld.idx.msk [tilespmem:v3+s0+$0x80 ss:$0x1], $0xffff  }
0xf9: {  	v2 =	vld.idx.msk [tilespmem:v3+s0+$0x0 ss:$0x1], $0xffff  }
0xfa: {  	v8 =	vld.idx.msk [tilespmem:v7+s15+$0x0], $0xffff  }
0xfb: {  	v11 =	vld.idx.msk [tilespmem:v4+s15+$0x0], $0xffff  }
0xfc: {  	v5 =	vld.idx.msk [tilespmem:v7+s19+$0x0], $0xffff  }
0xfd: {  	v21 =	vld.idx.msk [tilespmem:v7+s16+$0x0], $0xffff  }
0xfe: {  	v9 =	vld.idx.msk [tilespmem:v4+s19+$0x0], $0xffff  }
0xff: {  	v16 =	vimm.f32 $0.0e+00;
	v19 =	vimm.f32 $0.0e+00;
	v22 =	vimm.f32 $0.0e+00;
	v6 =	vld.idx.msk [tilespmem:v7+s17+$0x0], $0xffff  }
0x100: {  	v14 =	vimm.f32 $0.0e+00;
	v10 =	vmul.u32 $0x60, v1;
	v1 =	vmul.u32 $0x60, v2;
	v13 =	vld.idx.msk [tilespmem:v7+s18+$0x0], $0xffff  }
0x101: {  	v18 =	vimm.f32 $0.0e+00;
	v17 =	vimm.f32 $0.0e+00;
	v20 =	vimm.f32 $0.0e+00;
	v23 =	vld.idx.msk [tilespmem:v7+s2+$0x0], $0xffff  }
0x102: {  	v12 =	vimm.f32 $0.0e+00;
	v7 =	vld.idx.msk [tilespmem:v4+s16+$0x0], $0xffff;
	v1 =	vor.u32 v0, v1;
	v2 =	vor.u32 v0, v10  }
0x103: {  	v15 =	vld.idx.msk [tilespmem:v4+s2+$0x0], $0xffff;
	v10 =	vimm.f32 $0.0e+00;
	v24 =	vshll.u32 v11, $0x10;
	v27 =	vadd.f32 v5, v16  }
0x104: {  	s30 =	sshll.u32 s28, $0x4;
	s31 =	simm.s32 $0x800;
	v28 =	vshll.u32 v8, $0x10;
	v26 =	vadd.f32 v8, v16;
	v25 =	vadd.f32 v21, v16;
	v8 =	vld.idx.msk [tilespmem:v4+s17+$0x0], $0xffff  }
.LBB2_15:
0x105: {  	s0 =	sshra.s32 s31, $0x2;
	p0 =	sne.s32 s31, $0x18C00;
	s31 =	sadd.s32 $0x400, s31;
	v16 =	vadd.f32 v28, v16;
	v28 =	vshll.u32 v6, $0x10;
	v29 =	vld.idx.msk [tilespmem:v4+s18+$0x0], $0xffff;
	v27 =	vadd.f32 v9, v27;
	v4 =	vmovc v2  }
0x106: {  	v21 =	vshll.u32 v21, $0x10;
	v31 =	vshll.u32 v13, $0x10;
	v30 =	vld.idx.msk [tilespmem:v3+s0+$0x80 ss:$0x1], $0xffff;
	v26 =	vadd.f32 v11, v26  }
0x107: {  	v33 =	vshll.u32 v23, $0x10;
	v19 =	vadd.f32 v23, v19;
	v32 =	vld.idx.msk [tilespmem:v3+s0+$0x0 ss:$0x1], $0xffff;
	v16 =	vadd.f32 v24, v16  }
0x108: {  	v22 =	vadd.f32 v21, v22;
	v21 =	vshll.u32 v5, $0x10;
	v25 =	vadd.f32 v7, v25;
	v34 =	vld.idx.msk [tilespmem:v1+s15+$0x0], $0xffff  }
0x109: {  	v13 =	vadd.f32 v13, v18;
	v14 =	vadd.f32 v28, v14;
	v18 =	vshll.u32 v8, $0x10;
	v2 =	vld.idx.msk [tilespmem:v2+s19+$0x0], $0xffff  }
0x10a: {  	v17 =	vadd.f32 v6, v17;
	v9 =	vshll.u32 v9, $0x10;
	v19 =	vadd.f32 v15, v19;
	v11 =	vld.idx.msk [tilespmem:v4+s15+$0x0], $0xffff  }
0x10b: {  	v20 =	vadd.f32 v21, v20;
	v14 =	vadd.f32 v18, v14;
	v23 =	vshll.u32 v29, $0x10;
	v5 =	vld.idx.msk [tilespmem:v1+s19+$0x0], $0xffff  }
0x10c: {  	v12 =	vadd.f32 v31, v12;
	v7 =	vshll.u32 v7, $0x10;
	v18 =	vadd.f32 v29, v13;
	v21 =	vld.idx.msk [tilespmem:v1+s16+$0x0], $0xffff  }
0x10d: {  	v10 =	vadd.f32 v33, v10;
	v17 =	vadd.f32 v8, v17;
	v15 =	vshll.u32 v15, $0x10;
	v6 =	vld.idx.msk [tilespmem:v1+s17+$0x0], $0xffff  }
.Ltmp6:
0x10e: {  	v22 =	vadd.f32 v7, v22;
	v8 =	vmul.u32 $0x60, v30;
	v12 =	vadd.f32 v23, v12;
	v13 =	vld.idx.msk [tilespmem:v1+s18+$0x0], $0xffff;
	(pc) =	sbr.rel @p0 .LBB2_15-.Ltmp6, $4  }
0x10f: {  	v20 =	vadd.f32 v9, v20;
	v10 =	vadd.f32 v15, v10;
	v28 =	vmul.u32 $0x60, v32;
	v9 =	vmovc v2;
	v23 =	vld.idx.msk [tilespmem:v1+s2+$0x0], $0xffff  }
0x110: {  	v24 =	vshll.u32 v11, $0x10;
	v7 =	vld.idx.msk [tilespmem:v4+s16+$0x0], $0xffff  }
0x111: {  	v2 =	vor.u32 v0, v8;
	v1 =	vor.u32 v0, v28;
	v27 =	vadd.f32 v5, v27;
	v8 =	vld.idx.msk [tilespmem:v4+s17+$0x0], $0xffff  }
0x112: {  	v26 =	vadd.f32 v34, v26;
	v28 =	vshll.u32 v34, $0x10;
	v25 =	vadd.f32 v21, v25;
	v15 =	vld.idx.msk [tilespmem:v4+s2+$0x0], $0xffff  }
0x113: {  	_ =	sdelay $0x3  }
0x114: {  	v3 =	vadd.f32 v28, v16;
	v62 =	vshll.u32 v6, $0x10;
	v27 =	vadd.f32 v9, v27;
	v4 =	vld.idx.msk [tilespmem:v4+s18+$0x0], $0xffff  }
0x115: {  	v21 =	vshll.u32 v21, $0x10;
	v29 =	vld.idx.msk [tilespmem:v1+s15+$0x0], $0xffff;
	v31 =	vadd.f32 v13, v18;
	v34 =	vadd.f32 v6, v17  }
0x116: {  	v63 =	vshll.u32 v13, $0x10;
	v32 =	vld.idx.msk [tilespmem:v2+s15+$0x0], $0xffff;
	v11 =	vadd.f32 v11, v26;
	v19 =	vadd.f32 v23, v19  }
0x117: {  	v5 =	vshll.u32 v5, $0x10;
	v36 =	vld.idx.msk [tilespmem:v1+s19+$0x0], $0xffff;
	v21 =	vadd.f32 v21, v22;
	v14 =	vadd.f32 v62, v14  }
0x118: {  	v37 =	vshll.u32 v9, $0x10;
	v38 =	vld.idx.msk [tilespmem:v1+s16+$0x0], $0xffff;
	v5 =	vadd.f32 v5, v20;
	v12 =	vadd.f32 v63, v12  }
0x119: {  	v40 =	vld.idx.msk [tilespmem:v1+s2+$0x0], $0xffff;
	v28 =	vshll.u32 v23, $0x10;
	v3 =	vadd.f32 v24, v3;
	v30 =	vadd.f32 v7, v25  }
0x11a: {  	v42 =	vld.idx.msk [tilespmem:v1+s17+$0x0], $0xffff;
	v41 =	vshll.u32 v7, $0x10;
	v10 =	vadd.f32 v28, v10;
	v6 =	vadd.f32 v8, v34  }
0x11b: {  	v44 =	vld.idx.msk [tilespmem:v2+s2+$0x0], $0xffff;
	v33 =	vshll.u32 v8, $0x10;
	v7 =	vadd.f32 v41, v21;
	v5 =	vadd.f32 v37, v5  }
0x11c: {  	v1 =	vld.idx.msk [tilespmem:v1+s18+$0x0], $0xffff;
	v35 =	vadd.f32 v15, v19;
	v14 =	vadd.f32 v33, v14;
	v43 =	vshll.u32 v15, $0x10  }
0x11d: {  	v48 =	vld.idx.msk [tilespmem:v2+s16+$0x0], $0xffff;
	v39 =	vshll.u32 v4, $0x10;
	v4 =	vadd.f32 v4, v31;
	v8 =	vadd.f32 v43, v10  }
0x11e: {  	v52 =	vld.idx.msk [tilespmem:v2+s17+$0x0], $0xffff;
	v45 =	vshll.u32 v32, $0x10;
	v46 =	vadd.f32 v36, v27;
	v47 =	vshll.u32 v29, $0x10  }
0x11f: {  	v11 =	vadd.f32 v29, v11;
	v22 =	vadd.f32 v38, v30;
	v49 =	vshll.u32 v40, $0x10  }
0x120: {  	v50 =	vshll.u32 v42, $0x10;
	v51 =	vshll.u32 v44, $0x10;
	v18 =	vshll.u32 v38, $0x10  }
0x121: {  	v53 =	vshll.u32 v1, $0x10;
	v55 =	vshll.u32 v36, $0x10;
	v6 =	vadd.f32 v42, v6  }
0x122: {  	v57 =	vshll.u32 v48, $0x10;
	v12 =	vadd.f32 v39, v12;
	v11 =	vadd.f32 v32, v11  }
0x123: {  	v59 =	vshll.u32 v52, $0x10;
	v3 =	vadd.f32 v47, v3;
	v56 =	vadd.f32 v48, v22  }
0x124: {  	v13 =	vadd.f32 v40, v35;
	v6 =	vadd.f32 v52, v6;
	v60 =	vmul.f32 $4.999999890e-03, v11  }
0x125: {  	v54 =	vld.idx.msk [tilespmem:v2+s18+$0x0], $0xffff;
	v7 =	vadd.f32 v18, v7;
	v3 =	vadd.f32 v45, v3;
	v62 =	vmul.f32 $4.999999890e-03, v56  }
0x126: {  	v2 =	vld.idx.msk [tilespmem:v2+s19+$0x0], $0xffff;
	v8 =	vadd.f32 v49, v8;
	v13 =	vadd.f32 v44, v13;
	v6 =	vmul.f32 $4.999999890e-03, v6;
	[tilespmem:s30+$0x19580] =	vst v60  }
0x127: {  	v14 =	vadd.f32 v50, v14;
	v58 =	vadd.f32 v57, v7;
	v3 =	vmul.f32 $4.999999890e-03, v3;
	[tilespmem:s30+$0x19680] =	vst v62  }
0x128: {  	v1 =	vadd.f32 v1, v4;
	v8 =	vadd.f32 v51, v8;
	v13 =	vmul.f32 $4.999999890e-03, v13;
	[tilespmem:s30+$0x19780] =	vst v6  }
0x129: {  	v7 =	vadd.f32 v59, v14;
	v9 =	vadd.f32 v53, v12;
	[tilespmem:s30+$0x19500] =	vst v3;
	v3 =	vmul.f32 $4.999999890e-03, v58  }
0x12a: {  	v61 =	vshll.u32 v54, $0x10;
	v1 =	vadd.f32 v54, v1;
	v8 =	vmul.f32 $4.999999890e-03, v8;
	[tilespmem:s30+$0x19480] =	vst v13  }
0x12b: {  	s28 =	sadd.s32 $0x1, s28;
	v5 =	vadd.f32 v55, v5;
	v4 =	vadd.f32 v61, v9;
	[tilespmem:s30+$0x19600] =	vst v3;
	v3 =	vmul.f32 $4.999999890e-03, v7  }
0x12c: {  	p0 =	sne.s32 s28, $0x8;
	v63 =	vshll.u32 v2, $0x10;
	v2 =	vadd.f32 v2, v46;
	v1 =	vmul.f32 $4.999999890e-03, v1;
	[tilespmem:s30+$0x19400] =	vst v8  }
.Ltmp7:
0x12d: {  	v5 =	vadd.f32 v63, v5;
	[tilespmem:s30+$0x19700] =	vst v3;
	v3 =	vmul.f32 $4.999999890e-03, v4;
	(pc) =	sbr.rel @p0 .LBB2_14-.Ltmp7, $4  }
0x12e: {  	[tilespmem:s30+$0x1A480] =	vst v1;
	v1 =	vmul.f32 $4.999999890e-03, v2  }
0x12f: {  	[tilespmem:s30+$0x1A400] =	vst v3;
	v3 =	vmul.f32 $4.999999890e-03, v5  }
0x130: {  	[tilespmem:s30+$0x1A580] =	vst v1  }
0x131: {  	s29 =	sadd.s32 $0x10, s29;
	[tilespmem:s30+$0x1A500] =	vst v3  }
0x132: {  	s26 =	sadd.s32 $0x1, s26  }
0x133: {  	p0 =	sne.s32 s26, s9  }
.Ltmp8:
0x134: {  	_ = 	snop;
	(pc) =	sbr.rel @p0 .LBB2_1-.Ltmp8, $4  }
0x135: {  	[hbm4b:s8+s24] =	stream.strided.scatter [tilespmem:s25], [sflag:$0x5], $0x2000, s11, s24, $0x38;
	[tilespmem:$0x1A800] =	vst v63  }
0x136: {  	_ =	swait.ge [sflag:s13], $0x2000  }
0x137: {  	[sflag:s13] =	ssyncset.done $0x0  }
0x138: {  	[sflag:s13] =	ssyncadd.s32 $0xFFFFE000  }
0x139: {  	_ =	sfence.sel $0x180000  }
0x13a: {  	[bflag:$0x0] =	sbarrier.arrive $0xFFFF  }
0x13b: {  	_ =	strace $0x90000047  }
0x13c: {  	[bflag:$0x2] =	sbarrier.arrive $0xFFFF  }
0x13d: {  	p0 =	sne.s32 s1, $0x0;
	s0 =	rddreg [dreg:$0x3]  }
0x13e: {  	s0 =	sadd.s32 @!p0 $0x100000, s0  }
0x13f: {  	[sflag:s0] =	ssyncadd.tile.s32 @!p0 $0x1;
	_ =	shalt  }
.Lfunc_end2:
_tile_overlayer_lowered:
.L_overlay_start_2:
0x140: {  	(tag) =	ssettag $0x2  }
0x141: {  	s0 =	rddreg [dreg:$0x0];
	s2 =	stileid.u32  }
0x142: {  	s1 =	rddreg [dreg:$0x1];
	p0 =	sne.s32 s2, $0x0  }
0x143: {  	s3 =	rddreg [dreg:$0x2];
	[bflag:$0x3] =	sbarrier.arrive $0xFFFF;
	s2 =	simm.s32 @!p0 $0x1C05  }
0x144: {  	[timem:s3], [sflag:s2] =	dma.local @!p0 [hbm:s0], s1  }
0x145: {  	s0 =	simm.s32 @!p0 $0x5  }
0x146: {  	_ =	swait.ge @!p0 [sflag:s0], s1  }
0x147: {  	s1 =	ssub.s32 @!p0 $0x0, s1;
	[sflag:s0] =	ssyncset.done @!p0 $0x0  }
0x148: {  	[sflag:s0] =	ssyncadd.s32 @!p0 s1  }
0x149: {  	[bflag:$0x3] =	sbarrier.arrive $0xFFFF  }
0x14a: {  	_ =	shalt  }

</sc_bundles>
